<compile_context>
chip_gen: v7x
topology: tpu7x:2x2x1
jax: 0.10.2.dev20260603
libtpu: 0.0.44.dev20260713+nightly
codegen_flags: <defaults>
</compile_context>

<pallas_src>
import functools

import jax
import jax.numpy as jnp
from jax import lax
from jax.experimental import pallas as pl
from jax.experimental.pallas import tpu as pltpu
from jax.experimental.pallas import tpu_sc as plsc

H = 8
C = 2 * H
EPS = 0.1
LN2 = 0.6931471805599453
NW = 32
GROUP = 8


def _vlog(s):
    bits = plsc.bitcast(s, jnp.int32)
    e = lax.shift_right_arithmetic(bits, 23) - 127
    mbits = lax.bitwise_or(lax.bitwise_and(bits, 0x007FFFFF), 0x3F800000)
    m = plsc.bitcast(mbits, jnp.float32)
    t = (m - 1.0) / (m + 1.0)
    t2 = t * t
    p = t2 * (1.0 / 9.0) + (1.0 / 7.0)
    p = t2 * p + (1.0 / 5.0)
    p = t2 * p + (1.0 / 3.0)
    p = t2 * p + 1.0
    return e.astype(jnp.float32) * LN2 + (2.0 * t) * p


def _stage1_body(rows_per_w, hp_hbm, tgt_hbm, part_hbm, x_v, t_v, sum_v, sem):
    cid = lax.axis_index("c")
    sid = lax.axis_index("s")
    wid = sid * 2 + cid
    base = wid * rows_per_w
    cp = pltpu.make_async_copy(hp_hbm.at[pl.ds(base, rows_per_w)], x_v, sem)
    cp.start()
    pltpu.sync_copy(tgt_hbm.at[pl.ds(base, rows_per_w)], t_v)
    cp.wait()

    lanes = lax.iota(jnp.int32, 16)
    zeros = jnp.zeros((16,), jnp.float32)
    groups = rows_per_w // (16 * GROUP)

    def gbody(g, carry):
        *lse_acc, pick_acc = carry
        lse_acc = list(lse_acc)
        g0 = g * (16 * GROUP)
        prods = [None] * H
        for bb in range(GROUP):
            rows = g0 + bb * 16 + lanes
            s = zeros
            c0 = c1 = None
            for j in range(C):
                cj = plsc.load_gather(
                    x_v, [rows, jnp.full((16,), j, jnp.int32)])
                if j == 0:
                    c0 = cj
                elif j == 1:
                    c1 = cj
                s = s + jnp.exp(cj)
                if j % 2 == 1:
                    h = j // 2
                    prods[h] = s if prods[h] is None else prods[h] * s
            tb = plsc.load_gather(t_v, [rows])
            pick_acc = pick_acc + jnp.where(tb == 0, c0, c1)
        for h in range(H):
            lse_acc[h] = lse_acc[h] + _vlog(prods[h])
        return tuple(lse_acc) + (pick_acc,)

    carry = lax.fori_loop(0, groups, gbody,
                          tuple(zeros for _ in range(H + 1)))
    *lse_acc, pick_acc = carry

    svec = zeros
    for h in range(H):
        svec = svec + jnp.where(lanes == h, jnp.sum(lse_acc[h]), 0.0)
    svec = svec + jnp.where(lanes == H, jnp.sum(pick_acc), 0.0)
    sum_v[pl.ds(0, 16)] = svec
    pltpu.sync_copy(sum_v, part_hbm.at[wid])


def _finalize_body(inv_b, p_ref, o_ref):
    p = p_ref[...]
    tot = jnp.sum(p, axis=0, keepdims=True)
    pick = tot[:, H:H + 1]
    losses = (tot[:, 0:H] - pick) * inv_b
    ii = lax.broadcasted_iota(jnp.int32, (1, H), 1)
    mn = jnp.min(losses, axis=1, keepdims=True)
    idxs = jnp.where(losses == mn, ii, jnp.int32(H))
    mi = jnp.min(idxs, axis=1, keepdims=True)
    delta = jnp.where(ii == mi, 1.0 - EPS, EPS)
    o_ref[...] = (losses * delta).reshape((H,))


@jax.jit
def kernel(head_predictions, targets):
    batch = head_predictions.shape[0]
    rows_per_w = batch // NW
    tgt = targets.astype(jnp.int32)
    mesh = plsc.VectorSubcoreMesh(core_axis_name="c", subcore_axis_name="s")

    stage1 = pl.kernel(
        functools.partial(_stage1_body, rows_per_w),
        out_type=jax.ShapeDtypeStruct((NW, 16), jnp.float32),
        mesh=mesh,
        scratch_types=[
            pltpu.VMEM((rows_per_w, C), jnp.float32),
            pltpu.VMEM((rows_per_w,), jnp.int32),
            pltpu.VMEM((16,), jnp.float32),
            pltpu.SemaphoreType.DMA,
        ],
        compiler_params=pltpu.CompilerParams(needs_layout_passes=False),
    )
    parts = stage1(head_predictions, tgt)

    out = pl.pallas_call(
        functools.partial(_finalize_body, 1.0 / batch),
        out_shape=jax.ShapeDtypeStruct((H,), jnp.float32),
    )(parts)
    return out

# --- scband reference (transcript-rebuilt; emitter-appended) ---
"""Pipeline reference for scband-meta-multi-head-loss-63969242906798 (READ-ONLY COPY).

The authoritative reference and input builder live on the scoring server;
editing this copy changes nothing except your own understanding.
"""

import jax, jax.numpy as jnp
import numpy as np

NO_OF_HEADS = 8
EPSILON = 0.1

def _cross_entropy_mean(pred, targets):
    # pred: [B, C] logits, targets: [B] int class indices
    lse = jax.nn.logsumexp(pred, axis=1)
    picked = jnp.take_along_axis(pred, targets[:, None], axis=1)[:, 0]
    return jnp.mean(lse - picked)

def setup_inputs(seed: int = 0) -> dict:
    key = jax.random.key(seed)
    k1, k2 = jax.random.split(key)
    head_predictions = jax.random.normal(k1, (16384, 2 * NO_OF_HEADS), dtype=jnp.float32)
    targets = jax.random.randint(k2, (16384,), 0, 2, dtype=jnp.int64 if jax.config.jax_enable_x64 else jnp.int32)
    return {"head_predictions": head_predictions, "targets": targets}

def reference(head_predictions, targets):
    losses = []
    for idx in range(1, NO_OF_HEADS + 1):
        pred = head_predictions[:, 0:2 * idx]
        losses.append(_cross_entropy_mean(pred, targets))
    losses_stacked = jnp.stack(losses)            # [H]
    min_idx = jnp.argmin(losses_stacked, axis=0)  # scalar (losses are scalars)
    B = head_predictions.shape[0]
    delta = jnp.ones((B, 1), dtype=jnp.float32) * EPSILON
    delta = delta.at[min_idx].set(1.0 - EPSILON)  # overwrite row min_idx
    modified_losses = [delta[i] * losses[i] for i in range(NO_OF_HEADS)]  # each shape (1,)
    return jnp.concatenate(modified_losses)       # [H], faithful to the per-head list of (1,) tensors

if __name__ == "__main__":
    import jax
    _d = setup_inputs()
    print(jax.jit(kernel)(*tuple(_d.values())))

</pallas_src>

<mosaic_0001>
#map = affine_map<(d0, d1) -> (0, 0)>
#map1 = affine_map<(d0, d1) -> (0)>
module attributes {stable_mosaic.version = 14 : i64} {
  func.func @_stage1_body(%arg0: i32, %arg1: i32, %arg2: memref<16384x16xf32, #tpu.memory_space<hbm>>, %arg3: memref<16384xi32, #tpu.memory_space<hbm>>, %arg4: memref<32x16xf32, #tpu.memory_space<hbm>>, %arg5: memref<512x16xf32, #tpu.memory_space<vmem>>, %arg6: memref<512xi32, #tpu.memory_space<vmem>>, %arg7: memref<16xf32, #tpu.memory_space<vmem>>, %arg8: memref<!tpu.dma_semaphore, #tpu.memory_space<semaphore_mem>>) attributes {dimension_semantics = [#tpu.dimension_semantics<core_parallel>, #tpu.dimension_semantics<subcore_parallel>], iteration_bounds = array<i64: 2, 16>, scalar_prefetch = 0 : i64, scratch_operands = 4 : i64, tpu.core_type = #tpu.core_type<sc_vector_subcore>, window_params = [{transform_indices = #map}, {transform_indices = #map1}, {transform_indices = #map}]} {
    %mul3A = arith.constant 2 : i32
    %mul3A_0 = arith.muli %arg1, %mul3A : i32
    %add3A = arith.addi %mul3A_0, %arg0 : i32
    %mul3A_1 = arith.constant 512 : i32
    %mul3A_2 = arith.muli %add3A, %mul3A_1 : i32
    %dma_start3A = arith.constant 0 : i32
    %dma_start3A_3 = tpu.memref_slice %arg2[%mul3A_2, %dma_start3A] : memref<16384x16xf32, #tpu.memory_space<hbm>> -> memref<512x16xf32, #tpu.memory_space<hbm>>
    %dma_start3A_4 = arith.constant 0 : i32
    %dma_start3A_5 = tpu.memref_slice %arg2[%mul3A_2, %dma_start3A_4] : memref<16384x16xf32, #tpu.memory_space<hbm>> -> memref<512x16xf32, #tpu.memory_space<hbm>>
    tpu.enqueue_dma source(%dma_start3A_5 : memref<512x16xf32, #tpu.memory_space<hbm>>) target(%arg5 : memref<512x16xf32, #tpu.memory_space<vmem>>) target_semaphore(%arg8 : memref<!tpu.dma_semaphore, #tpu.memory_space<semaphore_mem>>)
    "tpu.region"() ({
      %run_scoped3A = tpu.sem_alloc : memref<!tpu.dma_semaphore, #tpu.memory_space<semaphore_mem>>
      %dma_start3A_120 = tpu.memref_slice %arg3[%mul3A_2] : memref<16384xi32, #tpu.memory_space<hbm>> -> memref<512xi32, #tpu.memory_space<hbm>>
      %dma_start3A_121 = tpu.memref_slice %arg3[%mul3A_2] : memref<16384xi32, #tpu.memory_space<hbm>> -> memref<512xi32, #tpu.memory_space<hbm>>
      tpu.enqueue_dma source(%dma_start3A_121 : memref<512xi32, #tpu.memory_space<hbm>>) target(%arg6 : memref<512xi32, #tpu.memory_space<vmem>>) target_semaphore(%run_scoped3A : memref<!tpu.dma_semaphore, #tpu.memory_space<semaphore_mem>>)
      %dma_wait3A_122 = tpu.memref_slice %arg3[%mul3A_2] : memref<16384xi32, #tpu.memory_space<hbm>> -> memref<512xi32, #tpu.memory_space<hbm>>
      %dma_wait3A_123 = tpu.memref_slice %arg3[%mul3A_2] : memref<16384xi32, #tpu.memory_space<hbm>> -> memref<512xi32, #tpu.memory_space<hbm>>
      tpu.wait_dma2 semaphore(%run_scoped3A : memref<!tpu.dma_semaphore, #tpu.memory_space<semaphore_mem>>) src(%dma_wait3A_123 : memref<512xi32, #tpu.memory_space<hbm>>) dst(%arg6 : memref<512xi32, #tpu.memory_space<vmem>>)
      tpu.yield
    }) : () -> ()
    %dma_wait3A = arith.constant 0 : i32
    %dma_wait3A_6 = tpu.memref_slice %arg2[%mul3A_2, %dma_wait3A] : memref<16384x16xf32, #tpu.memory_space<hbm>> -> memref<512x16xf32, #tpu.memory_space<hbm>>
    %dma_wait3A_7 = arith.constant 0 : i32
    %dma_wait3A_8 = tpu.memref_slice %arg2[%mul3A_2, %dma_wait3A_7] : memref<16384x16xf32, #tpu.memory_space<hbm>> -> memref<512x16xf32, #tpu.memory_space<hbm>>
    tpu.wait_dma2 semaphore(%arg8 : memref<!tpu.dma_semaphore, #tpu.memory_space<semaphore_mem>>) src(%dma_wait3A_8 : memref<512x16xf32, #tpu.memory_space<hbm>>) dst(%arg5 : memref<512x16xf32, #tpu.memory_space<vmem>>)
    %iota3A = tpu.iota {dimensions = array<i32: 0>} : vector<16xi32>
    %broadcast_in_dim3A = arith.constant 0.000000e+00 : f32
    %broadcast_in_dim3A_9 = vector.broadcast %broadcast_in_dim3A : f32 to vector<16xf32>
    %scan3A = arith.constant 0 : i32
    %scan3A_10 = arith.constant 4 : i32
    %scan3A_11 = arith.addi %scan3A, %scan3A_10 : i32
    %scan3A_12 = arith.constant 1 : i32
    %scan3A_13:9 = scf.for %scan3A_120 = %scan3A to %scan3A_11 step %scan3A_12 iter_args(%scan3A_121 = %broadcast_in_dim3A_9, %scan3A_122 = %broadcast_in_dim3A_9, %scan3A_123 = %broadcast_in_dim3A_9, %scan3A_124 = %broadcast_in_dim3A_9, %scan3A_125 = %broadcast_in_dim3A_9, %scan3A_126 = %broadcast_in_dim3A_9, %scan3A_127 = %broadcast_in_dim3A_9, %scan3A_128 = %broadcast_in_dim3A_9, %scan3A_129 = %broadcast_in_dim3A_9) -> (vector<16xf32>, vector<16xf32>, vector<16xf32>, vector<16xf32>, vector<16xf32>, vector<16xf32>, vector<16xf32>, vector<16xf32>, vector<16xf32>)  : i32 {
      %mul3A_130 = arith.constant 128 : i32
      %mul3A_131 = arith.muli %scan3A_120, %mul3A_130 : i32
      %add3A_132 = arith.constant 0 : i32
      %add3A_133 = arith.addi %mul3A_131, %add3A_132 : i32
      %add3A_134 = vector.broadcast %add3A_133 : i32 to vector<16xi32>
      %add3A_135 = arith.addi %add3A_134, %iota3A : vector<16xi32>
      %broadcast_in_dim3A_136 = arith.constant 0 : i32
      %broadcast_in_dim3A_137 = vector.broadcast %broadcast_in_dim3A_136 : i32 to vector<16xi32>
      %gather3A = tpu.vector_load_idx %arg5[%add3A_135, %broadcast_in_dim3A_137] : memref<512x16xf32, #tpu.memory_space<vmem>>[vector<16xi32>, vector<16xi32>], vector<16xf32>,
      %exp3A = math.exp %gather3A : vector<16xf32>
      %add3A_138 = arith.addf %broadcast_in_dim3A_9, %exp3A : vector<16xf32>
      %broadcast_in_dim3A_139 = arith.constant 1 : i32
      %broadcast_in_dim3A_140 = vector.broadcast %broadcast_in_dim3A_139 : i32 to vector<16xi32>
      %gather3A_141 = tpu.vector_load_idx %arg5[%add3A_135, %broadcast_in_dim3A_140] : memref<512x16xf32, #tpu.memory_space<vmem>>[vector<16xi32>, vector<16xi32>], vector<16xf32>,
      %exp3A_142 = math.exp %gather3A_141 : vector<16xf32>
      %add3A_143 = arith.addf %add3A_138, %exp3A_142 : vector<16xf32>
      %broadcast_in_dim3A_144 = arith.constant 2 : i32
      %broadcast_in_dim3A_145 = vector.broadcast %broadcast_in_dim3A_144 : i32 to vector<16xi32>
      %gather3A_146 = tpu.vector_load_idx %arg5[%add3A_135, %broadcast_in_dim3A_145] : memref<512x16xf32, #tpu.memory_space<vmem>>[vector<16xi32>, vector<16xi32>], vector<16xf32>,
      %exp3A_147 = math.exp %gather3A_146 : vector<16xf32>
      %add3A_148 = arith.addf %add3A_143, %exp3A_147 : vector<16xf32>
      %broadcast_in_dim3A_149 = arith.constant 3 : i32
      %broadcast_in_dim3A_150 = vector.broadcast %broadcast_in_dim3A_149 : i32 to vector<16xi32>
      %gather3A_151 = tpu.vector_load_idx %arg5[%add3A_135, %broadcast_in_dim3A_150] : memref<512x16xf32, #tpu.memory_space<vmem>>[vector<16xi32>, vector<16xi32>], vector<16xf32>,
      %exp3A_152 = math.exp %gather3A_151 : vector<16xf32>
      %add3A_153 = arith.addf %add3A_148, %exp3A_152 : vector<16xf32>
      %broadcast_in_dim3A_154 = arith.constant 4 : i32
      %broadcast_in_dim3A_155 = vector.broadcast %broadcast_in_dim3A_154 : i32 to vector<16xi32>
      %gather3A_156 = tpu.vector_load_idx %arg5[%add3A_135, %broadcast_in_dim3A_155] : memref<512x16xf32, #tpu.memory_space<vmem>>[vector<16xi32>, vector<16xi32>], vector<16xf32>,
      %exp3A_157 = math.exp %gather3A_156 : vector<16xf32>
      %add3A_158 = arith.addf %add3A_153, %exp3A_157 : vector<16xf32>
      %broadcast_in_dim3A_159 = arith.constant 5 : i32
      %broadcast_in_dim3A_160 = vector.broadcast %broadcast_in_dim3A_159 : i32 to vector<16xi32>
      %gather3A_161 = tpu.vector_load_idx %arg5[%add3A_135, %broadcast_in_dim3A_160] : memref<512x16xf32, #tpu.memory_space<vmem>>[vector<16xi32>, vector<16xi32>], vector<16xf32>,
      %exp3A_162 = math.exp %gather3A_161 : vector<16xf32>
      %add3A_163 = arith.addf %add3A_158, %exp3A_162 : vector<16xf32>
      %broadcast_in_dim3A_164 = arith.constant 6 : i32
      %broadcast_in_dim3A_165 = vector.broadcast %broadcast_in_dim3A_164 : i32 to vector<16xi32>
      %gather3A_166 = tpu.vector_load_idx %arg5[%add3A_135, %broadcast_in_dim3A_165] : memref<512x16xf32, #tpu.memory_space<vmem>>[vector<16xi32>, vector<16xi32>], vector<16xf32>,
      %exp3A_167 = math.exp %gather3A_166 : vector<16xf32>
      %add3A_168 = arith.addf %add3A_163, %exp3A_167 : vector<16xf32>
      %broadcast_in_dim3A_169 = arith.constant 7 : i32
      %broadcast_in_dim3A_170 = vector.broadcast %broadcast_in_dim3A_169 : i32 to vector<16xi32>
      %gather3A_171 = tpu.vector_load_idx %arg5[%add3A_135, %broadcast_in_dim3A_170] : memref<512x16xf32, #tpu.memory_space<vmem>>[vector<16xi32>, vector<16xi32>], vector<16xf32>,
      %exp3A_172 = math.exp %gather3A_171 : vector<16xf32>
      %add3A_173 = arith.addf %add3A_168, %exp3A_172 : vector<16xf32>
      %broadcast_in_dim3A_174 = arith.constant 8 : i32
      %broadcast_in_dim3A_175 = vector.broadcast %broadcast_in_dim3A_174 : i32 to vector<16xi32>
      %gather3A_176 = tpu.vector_load_idx %arg5[%add3A_135, %broadcast_in_dim3A_175] : memref<512x16xf32, #tpu.memory_space<vmem>>[vector<16xi32>, vector<16xi32>], vector<16xf32>,
      %exp3A_177 = math.exp %gather3A_176 : vector<16xf32>
      %add3A_178 = arith.addf %add3A_173, %exp3A_177 : vector<16xf32>
      %broadcast_in_dim3A_179 = arith.constant 9 : i32
      %broadcast_in_dim3A_180 = vector.broadcast %broadcast_in_dim3A_179 : i32 to vector<16xi32>
      %gather3A_181 = tpu.vector_load_idx %arg5[%add3A_135, %broadcast_in_dim3A_180] : memref<512x16xf32, #tpu.memory_space<vmem>>[vector<16xi32>, vector<16xi32>], vector<16xf32>,
      %exp3A_182 = math.exp %gather3A_181 : vector<16xf32>
      %add3A_183 = arith.addf %add3A_178, %exp3A_182 : vector<16xf32>
      %broadcast_in_dim3A_184 = arith.constant 10 : i32
      %broadcast_in_dim3A_185 = vector.broadcast %broadcast_in_dim3A_184 : i32 to vector<16xi32>
      %gather3A_186 = tpu.vector_load_idx %arg5[%add3A_135, %broadcast_in_dim3A_185] : memref<512x16xf32, #tpu.memory_space<vmem>>[vector<16xi32>, vector<16xi32>], vector<16xf32>,
      %exp3A_187 = math.exp %gather3A_186 : vector<16xf32>
      %add3A_188 = arith.addf %add3A_183, %exp3A_187 : vector<16xf32>
      %broadcast_in_dim3A_189 = arith.constant 11 : i32
      %broadcast_in_dim3A_190 = vector.broadcast %broadcast_in_dim3A_189 : i32 to vector<16xi32>
      %gather3A_191 = tpu.vector_load_idx %arg5[%add3A_135, %broadcast_in_dim3A_190] : memref<512x16xf32, #tpu.memory_space<vmem>>[vector<16xi32>, vector<16xi32>], vector<16xf32>,
      %exp3A_192 = math.exp %gather3A_191 : vector<16xf32>
      %add3A_193 = arith.addf %add3A_188, %exp3A_192 : vector<16xf32>
      %broadcast_in_dim3A_194 = arith.constant 12 : i32
      %broadcast_in_dim3A_195 = vector.broadcast %broadcast_in_dim3A_194 : i32 to vector<16xi32>
      %gather3A_196 = tpu.vector_load_idx %arg5[%add3A_135, %broadcast_in_dim3A_195] : memref<512x16xf32, #tpu.memory_space<vmem>>[vector<16xi32>, vector<16xi32>], vector<16xf32>,
      %exp3A_197 = math.exp %gather3A_196 : vector<16xf32>
      %add3A_198 = arith.addf %add3A_193, %exp3A_197 : vector<16xf32>
      %broadcast_in_dim3A_199 = arith.constant 13 : i32
      %broadcast_in_dim3A_200 = vector.broadcast %broadcast_in_dim3A_199 : i32 to vector<16xi32>
      %gather3A_201 = tpu.vector_load_idx %arg5[%add3A_135, %broadcast_in_dim3A_200] : memref<512x16xf32, #tpu.memory_space<vmem>>[vector<16xi32>, vector<16xi32>], vector<16xf32>,
      %exp3A_202 = math.exp %gather3A_201 : vector<16xf32>
      %add3A_203 = arith.addf %add3A_198, %exp3A_202 : vector<16xf32>
      %broadcast_in_dim3A_204 = arith.constant 14 : i32
      %broadcast_in_dim3A_205 = vector.broadcast %broadcast_in_dim3A_204 : i32 to vector<16xi32>
      %gather3A_206 = tpu.vector_load_idx %arg5[%add3A_135, %broadcast_in_dim3A_205] : memref<512x16xf32, #tpu.memory_space<vmem>>[vector<16xi32>, vector<16xi32>], vector<16xf32>,
      %exp3A_207 = math.exp %gather3A_206 : vector<16xf32>
      %add3A_208 = arith.addf %add3A_203, %exp3A_207 : vector<16xf32>
      %broadcast_in_dim3A_209 = arith.constant 15 : i32
      %broadcast_in_dim3A_210 = vector.broadcast %broadcast_in_dim3A_209 : i32 to vector<16xi32>
      %gather3A_211 = tpu.vector_load_idx %arg5[%add3A_135, %broadcast_in_dim3A_210] : memref<512x16xf32, #tpu.memory_space<vmem>>[vector<16xi32>, vector<16xi32>], vector<16xf32>,
      %exp3A_212 = math.exp %gather3A_211 : vector<16xf32>
      %add3A_213 = arith.addf %add3A_208, %exp3A_212 : vector<16xf32>
      %gather3A_214 = tpu.vector_load_idx %arg6[%add3A_135] : memref<512xi32, #tpu.memory_space<vmem>>[vector<16xi32>], vector<16xi32>,
      %eq3A_215 = arith.constant 0 : i32
      %eq3A_216 = vector.broadcast %eq3A_215 : i32 to vector<16xi32>
      %eq3A_217 = arith.cmpi eq, %gather3A_214, %eq3A_216 : vector<16xi32>
      %select_n3A_218 = arith.select %eq3A_217, %gather3A, %gather3A_141 : vector<16xi1>, vector<16xf32>
      %add3A_219 = arith.addf %scan3A_129, %select_n3A_218 : vector<16xf32>
      %add3A_220 = arith.constant 16 : i32
      %add3A_221 = arith.addi %mul3A_131, %add3A_220 : i32
      %add3A_222 = vector.broadcast %add3A_221 : i32 to vector<16xi32>
      %add3A_223 = arith.addi %add3A_222, %iota3A : vector<16xi32>
      %broadcast_in_dim3A_224 = arith.constant 0 : i32
      %broadcast_in_dim3A_225 = vector.broadcast %broadcast_in_dim3A_224 : i32 to vector<16xi32>
      %gather3A_226 = tpu.vector_load_idx %arg5[%add3A_223, %broadcast_in_dim3A_225] : memref<512x16xf32, #tpu.memory_space<vmem>>[vector<16xi32>, vector<16xi32>], vector<16xf32>,
      %exp3A_227 = math.exp %gather3A_226 : vector<16xf32>
      %add3A_228 = arith.addf %broadcast_in_dim3A_9, %exp3A_227 : vector<16xf32>
      %broadcast_in_dim3A_229 = arith.constant 1 : i32
      %broadcast_in_dim3A_230 = vector.broadcast %broadcast_in_dim3A_229 : i32 to vector<16xi32>
      %gather3A_231 = tpu.vector_load_idx %arg5[%add3A_223, %broadcast_in_dim3A_230] : memref<512x16xf32, #tpu.memory_space<vmem>>[vector<16xi32>, vector<16xi32>], vector<16xf32>,
      %exp3A_232 = math.exp %gather3A_231 : vector<16xf32>
      %add3A_233 = arith.addf %add3A_228, %exp3A_232 : vector<16xf32>
      %mul3A_234 = arith.mulf %add3A_143, %add3A_233 : vector<16xf32>
      %broadcast_in_dim3A_235 = arith.constant 2 : i32
      %broadcast_in_dim3A_236 = vector.broadcast %broadcast_in_dim3A_235 : i32 to vector<16xi32>
      %gather3A_237 = tpu.vector_load_idx %arg5[%add3A_223, %broadcast_in_dim3A_236] : memref<512x16xf32, #tpu.memory_space<vmem>>[vector<16xi32>, vector<16xi32>], vector<16xf32>,
      %exp3A_238 = math.exp %gather3A_237 : vector<16xf32>
      %add3A_239 = arith.addf %add3A_233, %exp3A_238 : vector<16xf32>
      %broadcast_in_dim3A_240 = arith.constant 3 : i32
      %broadcast_in_dim3A_241 = vector.broadcast %broadcast_in_dim3A_240 : i32 to vector<16xi32>
      %gather3A_242 = tpu.vector_load_idx %arg5[%add3A_223, %broadcast_in_dim3A_241] : memref<512x16xf32, #tpu.memory_space<vmem>>[vector<16xi32>, vector<16xi32>], vector<16xf32>,
      %exp3A_243 = math.exp %gather3A_242 : vector<16xf32>
      %add3A_244 = arith.addf %add3A_239, %exp3A_243 : vector<16xf32>
      %mul3A_245 = arith.mulf %add3A_153, %add3A_244 : vector<16xf32>
      %broadcast_in_dim3A_246 = arith.constant 4 : i32
      %broadcast_in_dim3A_247 = vector.broadcast %broadcast_in_dim3A_246 : i32 to vector<16xi32>
      %gather3A_248 = tpu.vector_load_idx %arg5[%add3A_223, %broadcast_in_dim3A_247] : memref<512x16xf32, #tpu.memory_space<vmem>>[vector<16xi32>, vector<16xi32>], vector<16xf32>,
      %exp3A_249 = math.exp %gather3A_248 : vector<16xf32>
      %add3A_250 = arith.addf %add3A_244, %exp3A_249 : vector<16xf32>
      %broadcast_in_dim3A_251 = arith.constant 5 : i32
      %broadcast_in_dim3A_252 = vector.broadcast %broadcast_in_dim3A_251 : i32 to vector<16xi32>
      %gather3A_253 = tpu.vector_load_idx %arg5[%add3A_223, %broadcast_in_dim3A_252] : memref<512x16xf32, #tpu.memory_space<vmem>>[vector<16xi32>, vector<16xi32>], vector<16xf32>,
      %exp3A_254 = math.exp %gather3A_253 : vector<16xf32>
      %add3A_255 = arith.addf %add3A_250, %exp3A_254 : vector<16xf32>
      %mul3A_256 = arith.mulf %add3A_163, %add3A_255 : vector<16xf32>
      %broadcast_in_dim3A_257 = arith.constant 6 : i32
      %broadcast_in_dim3A_258 = vector.broadcast %broadcast_in_dim3A_257 : i32 to vector<16xi32>
      %gather3A_259 = tpu.vector_load_idx %arg5[%add3A_223, %broadcast_in_dim3A_258] : memref<512x16xf32, #tpu.memory_space<vmem>>[vector<16xi32>, vector<16xi32>], vector<16xf32>,
      %exp3A_260 = math.exp %gather3A_259 : vector<16xf32>
      %add3A_261 = arith.addf %add3A_255, %exp3A_260 : vector<16xf32>
      %broadcast_in_dim3A_262 = arith.constant 7 : i32
      %broadcast_in_dim3A_263 = vector.broadcast %broadcast_in_dim3A_262 : i32 to vector<16xi32>
      %gather3A_264 = tpu.vector_load_idx %arg5[%add3A_223, %broadcast_in_dim3A_263] : memref<512x16xf32, #tpu.memory_space<vmem>>[vector<16xi32>, vector<16xi32>], vector<16xf32>,
      %exp3A_265 = math.exp %gather3A_264 : vector<16xf32>
      %add3A_266 = arith.addf %add3A_261, %exp3A_265 : vector<16xf32>
      %mul3A_267 = arith.mulf %add3A_173, %add3A_266 : vector<16xf32>
      %broadcast_in_dim3A_268 = arith.constant 8 : i32
      %broadcast_in_dim3A_269 = vector.broadcast %broadcast_in_dim3A_268 : i32 to vector<16xi32>
      %gather3A_270 = tpu.vector_load_idx %arg5[%add3A_223, %broadcast_in_dim3A_269] : memref<512x16xf32, #tpu.memory_space<vmem>>[vector<16xi32>, vector<16xi32>], vector<16xf32>,
      %exp3A_271 = math.exp %gather3A_270 : vector<16xf32>
      %add3A_272 = arith.addf %add3A_266, %exp3A_271 : vector<16xf32>
      %broadcast_in_dim3A_273 = arith.constant 9 : i32
      %broadcast_in_dim3A_274 = vector.broadcast %broadcast_in_dim3A_273 : i32 to vector<16xi32>
      %gather3A_275 = tpu.vector_load_idx %arg5[%add3A_223, %broadcast_in_dim3A_274] : memref<512x16xf32, #tpu.memory_space<vmem>>[vector<16xi32>, vector<16xi32>], vector<16xf32>,
      %exp3A_276 = math.exp %gather3A_275 : vector<16xf32>
      %add3A_277 = arith.addf %add3A_272, %exp3A_276 : vector<16xf32>
      %mul3A_278 = arith.mulf %add3A_183, %add3A_277 : vector<16xf32>
      %broadcast_in_dim3A_279 = arith.constant 10 : i32
      %broadcast_in_dim3A_280 = vector.broadcast %broadcast_in_dim3A_279 : i32 to vector<16xi32>
      %gather3A_281 = tpu.vector_load_idx %arg5[%add3A_223, %broadcast_in_dim3A_280] : memref<512x16xf32, #tpu.memory_space<vmem>>[vector<16xi32>, vector<16xi32>], vector<16xf32>,
      %exp3A_282 = math.exp %gather3A_281 : vector<16xf32>
      %add3A_283 = arith.addf %add3A_277, %exp3A_282 : vector<16xf32>
      %broadcast_in_dim3A_284 = arith.constant 11 : i32
      %broadcast_in_dim3A_285 = vector.broadcast %broadcast_in_dim3A_284 : i32 to vector<16xi32>
      %gather3A_286 = tpu.vector_load_idx %arg5[%add3A_223, %broadcast_in_dim3A_285] : memref<512x16xf32, #tpu.memory_space<vmem>>[vector<16xi32>, vector<16xi32>], vector<16xf32>,
      %exp3A_287 = math.exp %gather3A_286 : vector<16xf32>
      %add3A_288 = arith.addf %add3A_283, %exp3A_287 : vector<16xf32>
      %mul3A_289 = arith.mulf %add3A_193, %add3A_288 : vector<16xf32>
      %broadcast_in_dim3A_290 = arith.constant 12 : i32
      %broadcast_in_dim3A_291 = vector.broadcast %broadcast_in_dim3A_290 : i32 to vector<16xi32>
      %gather3A_292 = tpu.vector_load_idx %arg5[%add3A_223, %broadcast_in_dim3A_291] : memref<512x16xf32, #tpu.memory_space<vmem>>[vector<16xi32>, vector<16xi32>], vector<16xf32>,
      %exp3A_293 = math.exp %gather3A_292 : vector<16xf32>
      %add3A_294 = arith.addf %add3A_288, %exp3A_293 : vector<16xf32>
      %broadcast_in_dim3A_295 = arith.constant 13 : i32
      %broadcast_in_dim3A_296 = vector.broadcast %broadcast_in_dim3A_295 : i32 to vector<16xi32>
      %gather3A_297 = tpu.vector_load_idx %arg5[%add3A_223, %broadcast_in_dim3A_296] : memref<512x16xf32, #tpu.memory_space<vmem>>[vector<16xi32>, vector<16xi32>], vector<16xf32>,
      %exp3A_298 = math.exp %gather3A_297 : vector<16xf32>
      %add3A_299 = arith.addf %add3A_294, %exp3A_298 : vector<16xf32>
      %mul3A_300 = arith.mulf %add3A_203, %add3A_299 : vector<16xf32>
      %broadcast_in_dim3A_301 = arith.constant 14 : i32
      %broadcast_in_dim3A_302 = vector.broadcast %broadcast_in_dim3A_301 : i32 to vector<16xi32>
      %gather3A_303 = tpu.vector_load_idx %arg5[%add3A_223, %broadcast_in_dim3A_302] : memref<512x16xf32, #tpu.memory_space<vmem>>[vector<16xi32>, vector<16xi32>], vector<16xf32>,
      %exp3A_304 = math.exp %gather3A_303 : vector<16xf32>
      %add3A_305 = arith.addf %add3A_299, %exp3A_304 : vector<16xf32>
      %broadcast_in_dim3A_306 = arith.constant 15 : i32
      %broadcast_in_dim3A_307 = vector.broadcast %broadcast_in_dim3A_306 : i32 to vector<16xi32>
      %gather3A_308 = tpu.vector_load_idx %arg5[%add3A_223, %broadcast_in_dim3A_307] : memref<512x16xf32, #tpu.memory_space<vmem>>[vector<16xi32>, vector<16xi32>], vector<16xf32>,
      %exp3A_309 = math.exp %gather3A_308 : vector<16xf32>
      %add3A_310 = arith.addf %add3A_305, %exp3A_309 : vector<16xf32>
      %mul3A_311 = arith.mulf %add3A_213, %add3A_310 : vector<16xf32>
      %gather3A_312 = tpu.vector_load_idx %arg6[%add3A_223] : memref<512xi32, #tpu.memory_space<vmem>>[vector<16xi32>], vector<16xi32>,
      %eq3A_313 = arith.constant 0 : i32
      %eq3A_314 = vector.broadcast %eq3A_313 : i32 to vector<16xi32>
      %eq3A_315 = arith.cmpi eq, %gather3A_312, %eq3A_314 : vector<16xi32>
      %select_n3A_316 = arith.select %eq3A_315, %gather3A_226, %gather3A_231 : vector<16xi1>, vector<16xf32>
      %add3A_317 = arith.addf %add3A_219, %select_n3A_316 : vector<16xf32>
      %add3A_318 = arith.constant 32 : i32
      %add3A_319 = arith.addi %mul3A_131, %add3A_318 : i32
      %add3A_320 = vector.broadcast %add3A_319 : i32 to vector<16xi32>
      %add3A_321 = arith.addi %add3A_320, %iota3A : vector<16xi32>
      %broadcast_in_dim3A_322 = arith.constant 0 : i32
      %broadcast_in_dim3A_323 = vector.broadcast %broadcast_in_dim3A_322 : i32 to vector<16xi32>
      %gather3A_324 = tpu.vector_load_idx %arg5[%add3A_321, %broadcast_in_dim3A_323] : memref<512x16xf32, #tpu.memory_space<vmem>>[vector<16xi32>, vector<16xi32>], vector<16xf32>,
      %exp3A_325 = math.exp %gather3A_324 : vector<16xf32>
      %add3A_326 = arith.addf %broadcast_in_dim3A_9, %exp3A_325 : vector<16xf32>
      %broadcast_in_dim3A_327 = arith.constant 1 : i32
      %broadcast_in_dim3A_328 = vector.broadcast %broadcast_in_dim3A_327 : i32 to vector<16xi32>
      %gather3A_329 = tpu.vector_load_idx %arg5[%add3A_321, %broadcast_in_dim3A_328] : memref<512x16xf32, #tpu.memory_space<vmem>>[vector<16xi32>, vector<16xi32>], vector<16xf32>,
      %exp3A_330 = math.exp %gather3A_329 : vector<16xf32>
      %add3A_331 = arith.addf %add3A_326, %exp3A_330 : vector<16xf32>
      %mul3A_332 = arith.mulf %mul3A_234, %add3A_331 : vector<16xf32>
      %broadcast_in_dim3A_333 = arith.constant 2 : i32
      %broadcast_in_dim3A_334 = vector.broadcast %broadcast_in_dim3A_333 : i32 to vector<16xi32>
      %gather3A_335 = tpu.vector_load_idx %arg5[%add3A_321, %broadcast_in_dim3A_334] : memref<512x16xf32, #tpu.memory_space<vmem>>[vector<16xi32>, vector<16xi32>], vector<16xf32>,
      %exp3A_336 = math.exp %gather3A_335 : vector<16xf32>
      %add3A_337 = arith.addf %add3A_331, %exp3A_336 : vector<16xf32>
      %broadcast_in_dim3A_338 = arith.constant 3 : i32
      %broadcast_in_dim3A_339 = vector.broadcast %broadcast_in_dim3A_338 : i32 to vector<16xi32>
      %gather3A_340 = tpu.vector_load_idx %arg5[%add3A_321, %broadcast_in_dim3A_339] : memref<512x16xf32, #tpu.memory_space<vmem>>[vector<16xi32>, vector<16xi32>], vector<16xf32>,
      %exp3A_341 = math.exp %gather3A_340 : vector<16xf32>
      %add3A_342 = arith.addf %add3A_337, %exp3A_341 : vector<16xf32>
      %mul3A_343 = arith.mulf %mul3A_245, %add3A_342 : vector<16xf32>
      %broadcast_in_dim3A_344 = arith.constant 4 : i32
      %broadcast_in_dim3A_345 = vector.broadcast %broadcast_in_dim3A_344 : i32 to vector<16xi32>
      %gather3A_346 = tpu.vector_load_idx %arg5[%add3A_321, %broadcast_in_dim3A_345] : memref<512x16xf32, #tpu.memory_space<vmem>>[vector<16xi32>, vector<16xi32>], vector<16xf32>,
      %exp3A_347 = math.exp %gather3A_346 : vector<16xf32>
      %add3A_348 = arith.addf %add3A_342, %exp3A_347 : vector<16xf32>
      %broadcast_in_dim3A_349 = arith.constant 5 : i32
      %broadcast_in_dim3A_350 = vector.broadcast %broadcast_in_dim3A_349 : i32 to vector<16xi32>
      %gather3A_351 = tpu.vector_load_idx %arg5[%add3A_321, %broadcast_in_dim3A_350] : memref<512x16xf32, #tpu.memory_space<vmem>>[vector<16xi32>, vector<16xi32>], vector<16xf32>,
      %exp3A_352 = math.exp %gather3A_351 : vector<16xf32>
      %add3A_353 = arith.addf %add3A_348, %exp3A_352 : vector<16xf32>
      %mul3A_354 = arith.mulf %mul3A_256, %add3A_353 : vector<16xf32>
      %broadcast_in_dim3A_355 = arith.constant 6 : i32
      %broadcast_in_dim3A_356 = vector.broadcast %broadcast_in_dim3A_355 : i32 to vector<16xi32>
      %gather3A_357 = tpu.vector_load_idx %arg5[%add3A_321, %broadcast_in_dim3A_356] : memref<512x16xf32, #tpu.memory_space<vmem>>[vector<16xi32>, vector<16xi32>], vector<16xf32>,
      %exp3A_358 = math.exp %gather3A_357 : vector<16xf32>
      %add3A_359 = arith.addf %add3A_353, %exp3A_358 : vector<16xf32>
      %broadcast_in_dim3A_360 = arith.constant 7 : i32
      %broadcast_in_dim3A_361 = vector.broadcast %broadcast_in_dim3A_360 : i32 to vector<16xi32>
      %gather3A_362 = tpu.vector_load_idx %arg5[%add3A_321, %broadcast_in_dim3A_361] : memref<512x16xf32, #tpu.memory_space<vmem>>[vector<16xi32>, vector<16xi32>], vector<16xf32>,
      %exp3A_363 = math.exp %gather3A_362 : vector<16xf32>
      %add3A_364 = arith.addf %add3A_359, %exp3A_363 : vector<16xf32>
      %mul3A_365 = arith.mulf %mul3A_267, %add3A_364 : vector<16xf32>
      %broadcast_in_dim3A_366 = arith.constant 8 : i32
      %broadcast_in_dim3A_367 = vector.broadcast %broadcast_in_dim3A_366 : i32 to vector<16xi32>
      %gather3A_368 = tpu.vector_load_idx %arg5[%add3A_321, %broadcast_in_dim3A_367] : memref<512x16xf32, #tpu.memory_space<vmem>>[vector<16xi32>, vector<16xi32>], vector<16xf32>,
      %exp3A_369 = math.exp %gather3A_368 : vector<16xf32>
      %add3A_370 = arith.addf %add3A_364, %exp3A_369 : vector<16xf32>
      %broadcast_in_dim3A_371 = arith.constant 9 : i32
      %broadcast_in_dim3A_372 = vector.broadcast %broadcast_in_dim3A_371 : i32 to vector<16xi32>
      %gather3A_373 = tpu.vector_load_idx %arg5[%add3A_321, %broadcast_in_dim3A_372] : memref<512x16xf32, #tpu.memory_space<vmem>>[vector<16xi32>, vector<16xi32>], vector<16xf32>,
      %exp3A_374 = math.exp %gather3A_373 : vector<16xf32>
      %add3A_375 = arith.addf %add3A_370, %exp3A_374 : vector<16xf32>
      %mul3A_376 = arith.mulf %mul3A_278, %add3A_375 : vector<16xf32>
      %broadcast_in_dim3A_377 = arith.constant 10 : i32
      %broadcast_in_dim3A_378 = vector.broadcast %broadcast_in_dim3A_377 : i32 to vector<16xi32>
      %gather3A_379 = tpu.vector_load_idx %arg5[%add3A_321, %broadcast_in_dim3A_378] : memref<512x16xf32, #tpu.memory_space<vmem>>[vector<16xi32>, vector<16xi32>], vector<16xf32>,
      %exp3A_380 = math.exp %gather3A_379 : vector<16xf32>
      %add3A_381 = arith.addf %add3A_375, %exp3A_380 : vector<16xf32>
      %broadcast_in_dim3A_382 = arith.constant 11 : i32
      %broadcast_in_dim3A_383 = vector.broadcast %broadcast_in_dim3A_382 : i32 to vector<16xi32>
      %gather3A_384 = tpu.vector_load_idx %arg5[%add3A_321, %broadcast_in_dim3A_383] : memref<512x16xf32, #tpu.memory_space<vmem>>[vector<16xi32>, vector<16xi32>], vector<16xf32>,
      %exp3A_385 = math.exp %gather3A_384 : vector<16xf32>
      %add3A_386 = arith.addf %add3A_381, %exp3A_385 : vector<16xf32>
      %mul3A_387 = arith.mulf %mul3A_289, %add3A_386 : vector<16xf32>
      %broadcast_in_dim3A_388 = arith.constant 12 : i32
      %broadcast_in_dim3A_389 = vector.broadcast %broadcast_in_dim3A_388 : i32 to vector<16xi32>
      %gather3A_390 = tpu.vector_load_idx %arg5[%add3A_321, %broadcast_in_dim3A_389] : memref<512x16xf32, #tpu.memory_space<vmem>>[vector<16xi32>, vector<16xi32>], vector<16xf32>,
      %exp3A_391 = math.exp %gather3A_390 : vector<16xf32>
      %add3A_392 = arith.addf %add3A_386, %exp3A_391 : vector<16xf32>
      %broadcast_in_dim3A_393 = arith.constant 13 : i32
      %broadcast_in_dim3A_394 = vector.broadcast %broadcast_in_dim3A_393 : i32 to vector<16xi32>
      %gather3A_395 = tpu.vector_load_idx %arg5[%add3A_321, %broadcast_in_dim3A_394] : memref<512x16xf32, #tpu.memory_space<vmem>>[vector<16xi32>, vector<16xi32>], vector<16xf32>,
      %exp3A_396 = math.exp %gather3A_395 : vector<16xf32>
      %add3A_397 = arith.addf %add3A_392, %exp3A_396 : vector<16xf32>
      %mul3A_398 = arith.mulf %mul3A_300, %add3A_397 : vector<16xf32>
      %broadcast_in_dim3A_399 = arith.constant 14 : i32
      %broadcast_in_dim3A_400 = vector.broadcast %broadcast_in_dim3A_399 : i32 to vector<16xi32>
      %gather3A_401 = tpu.vector_load_idx %arg5[%add3A_321, %broadcast_in_dim3A_400] : memref<512x16xf32, #tpu.memory_space<vmem>>[vector<16xi32>, vector<16xi32>], vector<16xf32>,
      %exp3A_402 = math.exp %gather3A_401 : vector<16xf32>
      %add3A_403 = arith.addf %add3A_397, %exp3A_402 : vector<16xf32>
      %broadcast_in_dim3A_404 = arith.constant 15 : i32
      %broadcast_in_dim3A_405 = vector.broadcast %broadcast_in_dim3A_404 : i32 to vector<16xi32>
      %gather3A_406 = tpu.vector_load_idx %arg5[%add3A_321, %broadcast_in_dim3A_405] : memref<512x16xf32, #tpu.memory_space<vmem>>[vector<16xi32>, vector<16xi32>], vector<16xf32>,
      %exp3A_407 = math.exp %gather3A_406 : vector<16xf32>
      %add3A_408 = arith.addf %add3A_403, %exp3A_407 : vector<16xf32>
      %mul3A_409 = arith.mulf %mul3A_311, %add3A_408 : vector<16xf32>
      %gather3A_410 = tpu.vector_load_idx %arg6[%add3A_321] : memref<512xi32, #tpu.memory_space<vmem>>[vector<16xi32>], vector<16xi32>,
      %eq3A_411 = arith.constant 0 : i32
      %eq3A_412 = vector.broadcast %eq3A_411 : i32 to vector<16xi32>
      %eq3A_413 = arith.cmpi eq, %gather3A_410, %eq3A_412 : vector<16xi32>
      %select_n3A_414 = arith.select %eq3A_413, %gather3A_324, %gather3A_329 : vector<16xi1>, vector<16xf32>
      %add3A_415 = arith.addf %add3A_317, %select_n3A_414 : vector<16xf32>
      %add3A_416 = arith.constant 48 : i32
      %add3A_417 = arith.addi %mul3A_131, %add3A_416 : i32
      %add3A_418 = vector.broadcast %add3A_417 : i32 to vector<16xi32>
      %add3A_419 = arith.addi %add3A_418, %iota3A : vector<16xi32>
      %broadcast_in_dim3A_420 = arith.constant 0 : i32
      %broadcast_in_dim3A_421 = vector.broadcast %broadcast_in_dim3A_420 : i32 to vector<16xi32>
      %gather3A_422 = tpu.vector_load_idx %arg5[%add3A_419, %broadcast_in_dim3A_421] : memref<512x16xf32, #tpu.memory_space<vmem>>[vector<16xi32>, vector<16xi32>], vector<16xf32>,
      %exp3A_423 = math.exp %gather3A_422 : vector<16xf32>
      %add3A_424 = arith.addf %broadcast_in_dim3A_9, %exp3A_423 : vector<16xf32>
      %broadcast_in_dim3A_425 = arith.constant 1 : i32
      %broadcast_in_dim3A_426 = vector.broadcast %broadcast_in_dim3A_425 : i32 to vector<16xi32>
      %gather3A_427 = tpu.vector_load_idx %arg5[%add3A_419, %broadcast_in_dim3A_426] : memref<512x16xf32, #tpu.memory_space<vmem>>[vector<16xi32>, vector<16xi32>], vector<16xf32>,
      %exp3A_428 = math.exp %gather3A_427 : vector<16xf32>
      %add3A_429 = arith.addf %add3A_424, %exp3A_428 : vector<16xf32>
      %mul3A_430 = arith.mulf %mul3A_332, %add3A_429 : vector<16xf32>
      %broadcast_in_dim3A_431 = arith.constant 2 : i32
      %broadcast_in_dim3A_432 = vector.broadcast %broadcast_in_dim3A_431 : i32 to vector<16xi32>
      %gather3A_433 = tpu.vector_load_idx %arg5[%add3A_419, %broadcast_in_dim3A_432] : memref<512x16xf32, #tpu.memory_space<vmem>>[vector<16xi32>, vector<16xi32>], vector<16xf32>,
      %exp3A_434 = math.exp %gather3A_433 : vector<16xf32>
      %add3A_435 = arith.addf %add3A_429, %exp3A_434 : vector<16xf32>
      %broadcast_in_dim3A_436 = arith.constant 3 : i32
      %broadcast_in_dim3A_437 = vector.broadcast %broadcast_in_dim3A_436 : i32 to vector<16xi32>
      %gather3A_438 = tpu.vector_load_idx %arg5[%add3A_419, %broadcast_in_dim3A_437] : memref<512x16xf32, #tpu.memory_space<vmem>>[vector<16xi32>, vector<16xi32>], vector<16xf32>,
      %exp3A_439 = math.exp %gather3A_438 : vector<16xf32>
      %add3A_440 = arith.addf %add3A_435, %exp3A_439 : vector<16xf32>
      %mul3A_441 = arith.mulf %mul3A_343, %add3A_440 : vector<16xf32>
      %broadcast_in_dim3A_442 = arith.constant 4 : i32
      %broadcast_in_dim3A_443 = vector.broadcast %broadcast_in_dim3A_442 : i32 to vector<16xi32>
      %gather3A_444 = tpu.vector_load_idx %arg5[%add3A_419, %broadcast_in_dim3A_443] : memref<512x16xf32, #tpu.memory_space<vmem>>[vector<16xi32>, vector<16xi32>], vector<16xf32>,
      %exp3A_445 = math.exp %gather3A_444 : vector<16xf32>
      %add3A_446 = arith.addf %add3A_440, %exp3A_445 : vector<16xf32>
      %broadcast_in_dim3A_447 = arith.constant 5 : i32
      %broadcast_in_dim3A_448 = vector.broadcast %broadcast_in_dim3A_447 : i32 to vector<16xi32>
      %gather3A_449 = tpu.vector_load_idx %arg5[%add3A_419, %broadcast_in_dim3A_448] : memref<512x16xf32, #tpu.memory_space<vmem>>[vector<16xi32>, vector<16xi32>], vector<16xf32>,
      %exp3A_450 = math.exp %gather3A_449 : vector<16xf32>
      %add3A_451 = arith.addf %add3A_446, %exp3A_450 : vector<16xf32>
      %mul3A_452 = arith.mulf %mul3A_354, %add3A_451 : vector<16xf32>
      %broadcast_in_dim3A_453 = arith.constant 6 : i32
      %broadcast_in_dim3A_454 = vector.broadcast %broadcast_in_dim3A_453 : i32 to vector<16xi32>
      %gather3A_455 = tpu.vector_load_idx %arg5[%add3A_419, %broadcast_in_dim3A_454] : memref<512x16xf32, #tpu.memory_space<vmem>>[vector<16xi32>, vector<16xi32>], vector<16xf32>,
      %exp3A_456 = math.exp %gather3A_455 : vector<16xf32>
      %add3A_457 = arith.addf %add3A_451, %exp3A_456 : vector<16xf32>
      %broadcast_in_dim3A_458 = arith.constant 7 : i32
      %broadcast_in_dim3A_459 = vector.broadcast %broadcast_in_dim3A_458 : i32 to vector<16xi32>
      %gather3A_460 = tpu.vector_load_idx %arg5[%add3A_419, %broadcast_in_dim3A_459] : memref<512x16xf32, #tpu.memory_space<vmem>>[vector<16xi32>, vector<16xi32>], vector<16xf32>,
      %exp3A_461 = math.exp %gather3A_460 : vector<16xf32>
      %add3A_462 = arith.addf %add3A_457, %exp3A_461 : vector<16xf32>
      %mul3A_463 = arith.mulf %mul3A_365, %add3A_462 : vector<16xf32>
      %broadcast_in_dim3A_464 = arith.constant 8 : i32
      %broadcast_in_dim3A_465 = vector.broadcast %broadcast_in_dim3A_464 : i32 to vector<16xi32>
      %gather3A_466 = tpu.vector_load_idx %arg5[%add3A_419, %broadcast_in_dim3A_465] : memref<512x16xf32, #tpu.memory_space<vmem>>[vector<16xi32>, vector<16xi32>], vector<16xf32>,
      %exp3A_467 = math.exp %gather3A_466 : vector<16xf32>
      %add3A_468 = arith.addf %add3A_462, %exp3A_467 : vector<16xf32>
      %broadcast_in_dim3A_469 = arith.constant 9 : i32
      %broadcast_in_dim3A_470 = vector.broadcast %broadcast_in_dim3A_469 : i32 to vector<16xi32>
      %gather3A_471 = tpu.vector_load_idx %arg5[%add3A_419, %broadcast_in_dim3A_470] : memref<512x16xf32, #tpu.memory_space<vmem>>[vector<16xi32>, vector<16xi32>], vector<16xf32>,
      %exp3A_472 = math.exp %gather3A_471 : vector<16xf32>
      %add3A_473 = arith.addf %add3A_468, %exp3A_472 : vector<16xf32>
      %mul3A_474 = arith.mulf %mul3A_376, %add3A_473 : vector<16xf32>
      %broadcast_in_dim3A_475 = arith.constant 10 : i32
      %broadcast_in_dim3A_476 = vector.broadcast %broadcast_in_dim3A_475 : i32 to vector<16xi32>
      %gather3A_477 = tpu.vector_load_idx %arg5[%add3A_419, %broadcast_in_dim3A_476] : memref<512x16xf32, #tpu.memory_space<vmem>>[vector<16xi32>, vector<16xi32>], vector<16xf32>,
      %exp3A_478 = math.exp %gather3A_477 : vector<16xf32>
      %add3A_479 = arith.addf %add3A_473, %exp3A_478 : vector<16xf32>
      %broadcast_in_dim3A_480 = arith.constant 11 : i32
      %broadcast_in_dim3A_481 = vector.broadcast %broadcast_in_dim3A_480 : i32 to vector<16xi32>
      %gather3A_482 = tpu.vector_load_idx %arg5[%add3A_419, %broadcast_in_dim3A_481] : memref<512x16xf32, #tpu.memory_space<vmem>>[vector<16xi32>, vector<16xi32>], vector<16xf32>,
      %exp3A_483 = math.exp %gather3A_482 : vector<16xf32>
      %add3A_484 = arith.addf %add3A_479, %exp3A_483 : vector<16xf32>
      %mul3A_485 = arith.mulf %mul3A_387, %add3A_484 : vector<16xf32>
      %broadcast_in_dim3A_486 = arith.constant 12 : i32
      %broadcast_in_dim3A_487 = vector.broadcast %broadcast_in_dim3A_486 : i32 to vector<16xi32>
      %gather3A_488 = tpu.vector_load_idx %arg5[%add3A_419, %broadcast_in_dim3A_487] : memref<512x16xf32, #tpu.memory_space<vmem>>[vector<16xi32>, vector<16xi32>], vector<16xf32>,
      %exp3A_489 = math.exp %gather3A_488 : vector<16xf32>
      %add3A_490 = arith.addf %add3A_484, %exp3A_489 : vector<16xf32>
      %broadcast_in_dim3A_491 = arith.constant 13 : i32
      %broadcast_in_dim3A_492 = vector.broadcast %broadcast_in_dim3A_491 : i32 to vector<16xi32>
      %gather3A_493 = tpu.vector_load_idx %arg5[%add3A_419, %broadcast_in_dim3A_492] : memref<512x16xf32, #tpu.memory_space<vmem>>[vector<16xi32>, vector<16xi32>], vector<16xf32>,
      %exp3A_494 = math.exp %gather3A_493 : vector<16xf32>
      %add3A_495 = arith.addf %add3A_490, %exp3A_494 : vector<16xf32>
      %mul3A_496 = arith.mulf %mul3A_398, %add3A_495 : vector<16xf32>
      %broadcast_in_dim3A_497 = arith.constant 14 : i32
      %broadcast_in_dim3A_498 = vector.broadcast %broadcast_in_dim3A_497 : i32 to vector<16xi32>
      %gather3A_499 = tpu.vector_load_idx %arg5[%add3A_419, %broadcast_in_dim3A_498] : memref<512x16xf32, #tpu.memory_space<vmem>>[vector<16xi32>, vector<16xi32>], vector<16xf32>,
      %exp3A_500 = math.exp %gather3A_499 : vector<16xf32>
      %add3A_501 = arith.addf %add3A_495, %exp3A_500 : vector<16xf32>
      %broadcast_in_dim3A_502 = arith.constant 15 : i32
      %broadcast_in_dim3A_503 = vector.broadcast %broadcast_in_dim3A_502 : i32 to vector<16xi32>
      %gather3A_504 = tpu.vector_load_idx %arg5[%add3A_419, %broadcast_in_dim3A_503] : memref<512x16xf32, #tpu.memory_space<vmem>>[vector<16xi32>, vector<16xi32>], vector<16xf32>,
      %exp3A_505 = math.exp %gather3A_504 : vector<16xf32>
      %add3A_506 = arith.addf %add3A_501, %exp3A_505 : vector<16xf32>
      %mul3A_507 = arith.mulf %mul3A_409, %add3A_506 : vector<16xf32>
      %gather3A_508 = tpu.vector_load_idx %arg6[%add3A_419] : memref<512xi32, #tpu.memory_space<vmem>>[vector<16xi32>], vector<16xi32>,
      %eq3A_509 = arith.constant 0 : i32
      %eq3A_510 = vector.broadcast %eq3A_509 : i32 to vector<16xi32>
      %eq3A_511 = arith.cmpi eq, %gather3A_508, %eq3A_510 : vector<16xi32>
      %select_n3A_512 = arith.select %eq3A_511, %gather3A_422, %gather3A_427 : vector<16xi1>, vector<16xf32>
      %add3A_513 = arith.addf %add3A_415, %select_n3A_512 : vector<16xf32>
      %add3A_514 = arith.constant 64 : i32
      %add3A_515 = arith.addi %mul3A_131, %add3A_514 : i32
      %add3A_516 = vector.broadcast %add3A_515 : i32 to vector<16xi32>
      %add3A_517 = arith.addi %add3A_516, %iota3A : vector<16xi32>
      %broadcast_in_dim3A_518 = arith.constant 0 : i32
      %broadcast_in_dim3A_519 = vector.broadcast %broadcast_in_dim3A_518 : i32 to vector<16xi32>
      %gather3A_520 = tpu.vector_load_idx %arg5[%add3A_517, %broadcast_in_dim3A_519] : memref<512x16xf32, #tpu.memory_space<vmem>>[vector<16xi32>, vector<16xi32>], vector<16xf32>,
      %exp3A_521 = math.exp %gather3A_520 : vector<16xf32>
      %add3A_522 = arith.addf %broadcast_in_dim3A_9, %exp3A_521 : vector<16xf32>
      %broadcast_in_dim3A_523 = arith.constant 1 : i32
      %broadcast_in_dim3A_524 = vector.broadcast %broadcast_in_dim3A_523 : i32 to vector<16xi32>
      %gather3A_525 = tpu.vector_load_idx %arg5[%add3A_517, %broadcast_in_dim3A_524] : memref<512x16xf32, #tpu.memory_space<vmem>>[vector<16xi32>, vector<16xi32>], vector<16xf32>,
      %exp3A_526 = math.exp %gather3A_525 : vector<16xf32>
      %add3A_527 = arith.addf %add3A_522, %exp3A_526 : vector<16xf32>
      %mul3A_528 = arith.mulf %mul3A_430, %add3A_527 : vector<16xf32>
      %broadcast_in_dim3A_529 = arith.constant 2 : i32
      %broadcast_in_dim3A_530 = vector.broadcast %broadcast_in_dim3A_529 : i32 to vector<16xi32>
      %gather3A_531 = tpu.vector_load_idx %arg5[%add3A_517, %broadcast_in_dim3A_530] : memref<512x16xf32, #tpu.memory_space<vmem>>[vector<16xi32>, vector<16xi32>], vector<16xf32>,
      %exp3A_532 = math.exp %gather3A_531 : vector<16xf32>
      %add3A_533 = arith.addf %add3A_527, %exp3A_532 : vector<16xf32>
      %broadcast_in_dim3A_534 = arith.constant 3 : i32
      %broadcast_in_dim3A_535 = vector.broadcast %broadcast_in_dim3A_534 : i32 to vector<16xi32>
      %gather3A_536 = tpu.vector_load_idx %arg5[%add3A_517, %broadcast_in_dim3A_535] : memref<512x16xf32, #tpu.memory_space<vmem>>[vector<16xi32>, vector<16xi32>], vector<16xf32>,
      %exp3A_537 = math.exp %gather3A_536 : vector<16xf32>
      %add3A_538 = arith.addf %add3A_533, %exp3A_537 : vector<16xf32>
      %mul3A_539 = arith.mulf %mul3A_441, %add3A_538 : vector<16xf32>
      %broadcast_in_dim3A_540 = arith.constant 4 : i32
      %broadcast_in_dim3A_541 = vector.broadcast %broadcast_in_dim3A_540 : i32 to vector<16xi32>
      %gather3A_542 = tpu.vector_load_idx %arg5[%add3A_517, %broadcast_in_dim3A_541] : memref<512x16xf32, #tpu.memory_space<vmem>>[vector<16xi32>, vector<16xi32>], vector<16xf32>,
      %exp3A_543 = math.exp %gather3A_542 : vector<16xf32>
      %add3A_544 = arith.addf %add3A_538, %exp3A_543 : vector<16xf32>
      %broadcast_in_dim3A_545 = arith.constant 5 : i32
      %broadcast_in_dim3A_546 = vector.broadcast %broadcast_in_dim3A_545 : i32 to vector<16xi32>
      %gather3A_547 = tpu.vector_load_idx %arg5[%add3A_517, %broadcast_in_dim3A_546] : memref<512x16xf32, #tpu.memory_space<vmem>>[vector<16xi32>, vector<16xi32>], vector<16xf32>,
      %exp3A_548 = math.exp %gather3A_547 : vector<16xf32>
      %add3A_549 = arith.addf %add3A_544, %exp3A_548 : vector<16xf32>
      %mul3A_550 = arith.mulf %mul3A_452, %add3A_549 : vector<16xf32>
      %broadcast_in_dim3A_551 = arith.constant 6 : i32
      %broadcast_in_dim3A_552 = vector.broadcast %broadcast_in_dim3A_551 : i32 to vector<16xi32>
      %gather3A_553 = tpu.vector_load_idx %arg5[%add3A_517, %broadcast_in_dim3A_552] : memref<512x16xf32, #tpu.memory_space<vmem>>[vector<16xi32>, vector<16xi32>], vector<16xf32>,
      %exp3A_554 = math.exp %gather3A_553 : vector<16xf32>
      %add3A_555 = arith.addf %add3A_549, %exp3A_554 : vector<16xf32>
      %broadcast_in_dim3A_556 = arith.constant 7 : i32
      %broadcast_in_dim3A_557 = vector.broadcast %broadcast_in_dim3A_556 : i32 to vector<16xi32>
      %gather3A_558 = tpu.vector_load_idx %arg5[%add3A_517, %broadcast_in_dim3A_557] : memref<512x16xf32, #tpu.memory_space<vmem>>[vector<16xi32>, vector<16xi32>], vector<16xf32>,
      %exp3A_559 = math.exp %gather3A_558 : vector<16xf32>
      %add3A_560 = arith.addf %add3A_555, %exp3A_559 : vector<16xf32>
      %mul3A_561 = arith.mulf %mul3A_463, %add3A_560 : vector<16xf32>
      %broadcast_in_dim3A_562 = arith.constant 8 : i32
      %broadcast_in_dim3A_563 = vector.broadcast %broadcast_in_dim3A_562 : i32 to vector<16xi32>
      %gather3A_564 = tpu.vector_load_idx %arg5[%add3A_517, %broadcast_in_dim3A_563] : memref<512x16xf32, #tpu.memory_space<vmem>>[vector<16xi32>, vector<16xi32>], vector<16xf32>,
      %exp3A_565 = math.exp %gather3A_564 : vector<16xf32>
      %add3A_566 = arith.addf %add3A_560, %exp3A_565 : vector<16xf32>
      %broadcast_in_dim3A_567 = arith.constant 9 : i32
      %broadcast_in_dim3A_568 = vector.broadcast %broadcast_in_dim3A_567 : i32 to vector<16xi32>
      %gather3A_569 = tpu.vector_load_idx %arg5[%add3A_517, %broadcast_in_dim3A_568] : memref<512x16xf32, #tpu.memory_space<vmem>>[vector<16xi32>, vector<16xi32>], vector<16xf32>,
      %exp3A_570 = math.exp %gather3A_569 : vector<16xf32>
      %add3A_571 = arith.addf %add3A_566, %exp3A_570 : vector<16xf32>
      %mul3A_572 = arith.mulf %mul3A_474, %add3A_571 : vector<16xf32>
      %broadcast_in_dim3A_573 = arith.constant 10 : i32
      %broadcast_in_dim3A_574 = vector.broadcast %broadcast_in_dim3A_573 : i32 to vector<16xi32>
      %gather3A_575 = tpu.vector_load_idx %arg5[%add3A_517, %broadcast_in_dim3A_574] : memref<512x16xf32, #tpu.memory_space<vmem>>[vector<16xi32>, vector<16xi32>], vector<16xf32>,
      %exp3A_576 = math.exp %gather3A_575 : vector<16xf32>
      %add3A_577 = arith.addf %add3A_571, %exp3A_576 : vector<16xf32>
      %broadcast_in_dim3A_578 = arith.constant 11 : i32
      %broadcast_in_dim3A_579 = vector.broadcast %broadcast_in_dim3A_578 : i32 to vector<16xi32>
      %gather3A_580 = tpu.vector_load_idx %arg5[%add3A_517, %broadcast_in_dim3A_579] : memref<512x16xf32, #tpu.memory_space<vmem>>[vector<16xi32>, vector<16xi32>], vector<16xf32>,
      %exp3A_581 = math.exp %gather3A_580 : vector<16xf32>
      %add3A_582 = arith.addf %add3A_577, %exp3A_581 : vector<16xf32>
      %mul3A_583 = arith.mulf %mul3A_485, %add3A_582 : vector<16xf32>
      %broadcast_in_dim3A_584 = arith.constant 12 : i32
      %broadcast_in_dim3A_585 = vector.broadcast %broadcast_in_dim3A_584 : i32 to vector<16xi32>
      %gather3A_586 = tpu.vector_load_idx %arg5[%add3A_517, %broadcast_in_dim3A_585] : memref<512x16xf32, #tpu.memory_space<vmem>>[vector<16xi32>, vector<16xi32>], vector<16xf32>,
      %exp3A_587 = math.exp %gather3A_586 : vector<16xf32>
      %add3A_588 = arith.addf %add3A_582, %exp3A_587 : vector<16xf32>
      %broadcast_in_dim3A_589 = arith.constant 13 : i32
      %broadcast_in_dim3A_590 = vector.broadcast %broadcast_in_dim3A_589 : i32 to vector<16xi32>
      %gather3A_591 = tpu.vector_load_idx %arg5[%add3A_517, %broadcast_in_dim3A_590] : memref<512x16xf32, #tpu.memory_space<vmem>>[vector<16xi32>, vector<16xi32>], vector<16xf32>,
      %exp3A_592 = math.exp %gather3A_591 : vector<16xf32>
      %add3A_593 = arith.addf %add3A_588, %exp3A_592 : vector<16xf32>
      %mul3A_594 = arith.mulf %mul3A_496, %add3A_593 : vector<16xf32>
      %broadcast_in_dim3A_595 = arith.constant 14 : i32
      %broadcast_in_dim3A_596 = vector.broadcast %broadcast_in_dim3A_595 : i32 to vector<16xi32>
      %gather3A_597 = tpu.vector_load_idx %arg5[%add3A_517, %broadcast_in_dim3A_596] : memref<512x16xf32, #tpu.memory_space<vmem>>[vector<16xi32>, vector<16xi32>], vector<16xf32>,
      %exp3A_598 = math.exp %gather3A_597 : vector<16xf32>
      %add3A_599 = arith.addf %add3A_593, %exp3A_598 : vector<16xf32>
      %broadcast_in_dim3A_600 = arith.constant 15 : i32
      %broadcast_in_dim3A_601 = vector.broadcast %broadcast_in_dim3A_600 : i32 to vector<16xi32>
      %gather3A_602 = tpu.vector_load_idx %arg5[%add3A_517, %broadcast_in_dim3A_601] : memref<512x16xf32, #tpu.memory_space<vmem>>[vector<16xi32>, vector<16xi32>], vector<16xf32>,
      %exp3A_603 = math.exp %gather3A_602 : vector<16xf32>
      %add3A_604 = arith.addf %add3A_599, %exp3A_603 : vector<16xf32>
      %mul3A_605 = arith.mulf %mul3A_507, %add3A_604 : vector<16xf32>
      %gather3A_606 = tpu.vector_load_idx %arg6[%add3A_517] : memref<512xi32, #tpu.memory_space<vmem>>[vector<16xi32>], vector<16xi32>,
      %eq3A_607 = arith.constant 0 : i32
      %eq3A_608 = vector.broadcast %eq3A_607 : i32 to vector<16xi32>
      %eq3A_609 = arith.cmpi eq, %gather3A_606, %eq3A_608 : vector<16xi32>
      %select_n3A_610 = arith.select %eq3A_609, %gather3A_520, %gather3A_525 : vector<16xi1>, vector<16xf32>
      %add3A_611 = arith.addf %add3A_513, %select_n3A_610 : vector<16xf32>
      %add3A_612 = arith.constant 80 : i32
      %add3A_613 = arith.addi %mul3A_131, %add3A_612 : i32
      %add3A_614 = vector.broadcast %add3A_613 : i32 to vector<16xi32>
      %add3A_615 = arith.addi %add3A_614, %iota3A : vector<16xi32>
      %broadcast_in_dim3A_616 = arith.constant 0 : i32
      %broadcast_in_dim3A_617 = vector.broadcast %broadcast_in_dim3A_616 : i32 to vector<16xi32>
      %gather3A_618 = tpu.vector_load_idx %arg5[%add3A_615, %broadcast_in_dim3A_617] : memref<512x16xf32, #tpu.memory_space<vmem>>[vector<16xi32>, vector<16xi32>], vector<16xf32>,
      %exp3A_619 = math.exp %gather3A_618 : vector<16xf32>
      %add3A_620 = arith.addf %broadcast_in_dim3A_9, %exp3A_619 : vector<16xf32>
      %broadcast_in_dim3A_621 = arith.constant 1 : i32
      %broadcast_in_dim3A_622 = vector.broadcast %broadcast_in_dim3A_621 : i32 to vector<16xi32>
      %gather3A_623 = tpu.vector_load_idx %arg5[%add3A_615, %broadcast_in_dim3A_622] : memref<512x16xf32, #tpu.memory_space<vmem>>[vector<16xi32>, vector<16xi32>], vector<16xf32>,
      %exp3A_624 = math.exp %gather3A_623 : vector<16xf32>
      %add3A_625 = arith.addf %add3A_620, %exp3A_624 : vector<16xf32>
      %mul3A_626 = arith.mulf %mul3A_528, %add3A_625 : vector<16xf32>
      %broadcast_in_dim3A_627 = arith.constant 2 : i32
      %broadcast_in_dim3A_628 = vector.broadcast %broadcast_in_dim3A_627 : i32 to vector<16xi32>
      %gather3A_629 = tpu.vector_load_idx %arg5[%add3A_615, %broadcast_in_dim3A_628] : memref<512x16xf32, #tpu.memory_space<vmem>>[vector<16xi32>, vector<16xi32>], vector<16xf32>,
      %exp3A_630 = math.exp %gather3A_629 : vector<16xf32>
      %add3A_631 = arith.addf %add3A_625, %exp3A_630 : vector<16xf32>
      %broadcast_in_dim3A_632 = arith.constant 3 : i32
      %broadcast_in_dim3A_633 = vector.broadcast %broadcast_in_dim3A_632 : i32 to vector<16xi32>
      %gather3A_634 = tpu.vector_load_idx %arg5[%add3A_615, %broadcast_in_dim3A_633] : memref<512x16xf32, #tpu.memory_space<vmem>>[vector<16xi32>, vector<16xi32>], vector<16xf32>,
      %exp3A_635 = math.exp %gather3A_634 : vector<16xf32>
      %add3A_636 = arith.addf %add3A_631, %exp3A_635 : vector<16xf32>
      %mul3A_637 = arith.mulf %mul3A_539, %add3A_636 : vector<16xf32>
      %broadcast_in_dim3A_638 = arith.constant 4 : i32
      %broadcast_in_dim3A_639 = vector.broadcast %broadcast_in_dim3A_638 : i32 to vector<16xi32>
      %gather3A_640 = tpu.vector_load_idx %arg5[%add3A_615, %broadcast_in_dim3A_639] : memref<512x16xf32, #tpu.memory_space<vmem>>[vector<16xi32>, vector<16xi32>], vector<16xf32>,
      %exp3A_641 = math.exp %gather3A_640 : vector<16xf32>
      %add3A_642 = arith.addf %add3A_636, %exp3A_641 : vector<16xf32>
      %broadcast_in_dim3A_643 = arith.constant 5 : i32
      %broadcast_in_dim3A_644 = vector.broadcast %broadcast_in_dim3A_643 : i32 to vector<16xi32>
      %gather3A_645 = tpu.vector_load_idx %arg5[%add3A_615, %broadcast_in_dim3A_644] : memref<512x16xf32, #tpu.memory_space<vmem>>[vector<16xi32>, vector<16xi32>], vector<16xf32>,
      %exp3A_646 = math.exp %gather3A_645 : vector<16xf32>
      %add3A_647 = arith.addf %add3A_642, %exp3A_646 : vector<16xf32>
      %mul3A_648 = arith.mulf %mul3A_550, %add3A_647 : vector<16xf32>
      %broadcast_in_dim3A_649 = arith.constant 6 : i32
      %broadcast_in_dim3A_650 = vector.broadcast %broadcast_in_dim3A_649 : i32 to vector<16xi32>
      %gather3A_651 = tpu.vector_load_idx %arg5[%add3A_615, %broadcast_in_dim3A_650] : memref<512x16xf32, #tpu.memory_space<vmem>>[vector<16xi32>, vector<16xi32>], vector<16xf32>,
      %exp3A_652 = math.exp %gather3A_651 : vector<16xf32>
      %add3A_653 = arith.addf %add3A_647, %exp3A_652 : vector<16xf32>
      %broadcast_in_dim3A_654 = arith.constant 7 : i32
      %broadcast_in_dim3A_655 = vector.broadcast %broadcast_in_dim3A_654 : i32 to vector<16xi32>
      %gather3A_656 = tpu.vector_load_idx %arg5[%add3A_615, %broadcast_in_dim3A_655] : memref<512x16xf32, #tpu.memory_space<vmem>>[vector<16xi32>, vector<16xi32>], vector<16xf32>,
      %exp3A_657 = math.exp %gather3A_656 : vector<16xf32>
      %add3A_658 = arith.addf %add3A_653, %exp3A_657 : vector<16xf32>
      %mul3A_659 = arith.mulf %mul3A_561, %add3A_658 : vector<16xf32>
      %broadcast_in_dim3A_660 = arith.constant 8 : i32
      %broadcast_in_dim3A_661 = vector.broadcast %broadcast_in_dim3A_660 : i32 to vector<16xi32>
      %gather3A_662 = tpu.vector_load_idx %arg5[%add3A_615, %broadcast_in_dim3A_661] : memref<512x16xf32, #tpu.memory_space<vmem>>[vector<16xi32>, vector<16xi32>], vector<16xf32>,
      %exp3A_663 = math.exp %gather3A_662 : vector<16xf32>
      %add3A_664 = arith.addf %add3A_658, %exp3A_663 : vector<16xf32>
      %broadcast_in_dim3A_665 = arith.constant 9 : i32
      %broadcast_in_dim3A_666 = vector.broadcast %broadcast_in_dim3A_665 : i32 to vector<16xi32>
      %gather3A_667 = tpu.vector_load_idx %arg5[%add3A_615, %broadcast_in_dim3A_666] : memref<512x16xf32, #tpu.memory_space<vmem>>[vector<16xi32>, vector<16xi32>], vector<16xf32>,
      %exp3A_668 = math.exp %gather3A_667 : vector<16xf32>
      %add3A_669 = arith.addf %add3A_664, %exp3A_668 : vector<16xf32>
      %mul3A_670 = arith.mulf %mul3A_572, %add3A_669 : vector<16xf32>
      %broadcast_in_dim3A_671 = arith.constant 10 : i32
      %broadcast_in_dim3A_672 = vector.broadcast %broadcast_in_dim3A_671 : i32 to vector<16xi32>
      %gather3A_673 = tpu.vector_load_idx %arg5[%add3A_615, %broadcast_in_dim3A_672] : memref<512x16xf32, #tpu.memory_space<vmem>>[vector<16xi32>, vector<16xi32>], vector<16xf32>,
      %exp3A_674 = math.exp %gather3A_673 : vector<16xf32>
      %add3A_675 = arith.addf %add3A_669, %exp3A_674 : vector<16xf32>
      %broadcast_in_dim3A_676 = arith.constant 11 : i32
      %broadcast_in_dim3A_677 = vector.broadcast %broadcast_in_dim3A_676 : i32 to vector<16xi32>
      %gather3A_678 = tpu.vector_load_idx %arg5[%add3A_615, %broadcast_in_dim3A_677] : memref<512x16xf32, #tpu.memory_space<vmem>>[vector<16xi32>, vector<16xi32>], vector<16xf32>,
      %exp3A_679 = math.exp %gather3A_678 : vector<16xf32>
      %add3A_680 = arith.addf %add3A_675, %exp3A_679 : vector<16xf32>
      %mul3A_681 = arith.mulf %mul3A_583, %add3A_680 : vector<16xf32>
      %broadcast_in_dim3A_682 = arith.constant 12 : i32
      %broadcast_in_dim3A_683 = vector.broadcast %broadcast_in_dim3A_682 : i32 to vector<16xi32>
      %gather3A_684 = tpu.vector_load_idx %arg5[%add3A_615, %broadcast_in_dim3A_683] : memref<512x16xf32, #tpu.memory_space<vmem>>[vector<16xi32>, vector<16xi32>], vector<16xf32>,
      %exp3A_685 = math.exp %gather3A_684 : vector<16xf32>
      %add3A_686 = arith.addf %add3A_680, %exp3A_685 : vector<16xf32>
      %broadcast_in_dim3A_687 = arith.constant 13 : i32
      %broadcast_in_dim3A_688 = vector.broadcast %broadcast_in_dim3A_687 : i32 to vector<16xi32>
      %gather3A_689 = tpu.vector_load_idx %arg5[%add3A_615, %broadcast_in_dim3A_688] : memref<512x16xf32, #tpu.memory_space<vmem>>[vector<16xi32>, vector<16xi32>], vector<16xf32>,
      %exp3A_690 = math.exp %gather3A_689 : vector<16xf32>
      %add3A_691 = arith.addf %add3A_686, %exp3A_690 : vector<16xf32>
      %mul3A_692 = arith.mulf %mul3A_594, %add3A_691 : vector<16xf32>
      %broadcast_in_dim3A_693 = arith.constant 14 : i32
      %broadcast_in_dim3A_694 = vector.broadcast %broadcast_in_dim3A_693 : i32 to vector<16xi32>
      %gather3A_695 = tpu.vector_load_idx %arg5[%add3A_615, %broadcast_in_dim3A_694] : memref<512x16xf32, #tpu.memory_space<vmem>>[vector<16xi32>, vector<16xi32>], vector<16xf32>,
      %exp3A_696 = math.exp %gather3A_695 : vector<16xf32>
      %add3A_697 = arith.addf %add3A_691, %exp3A_696 : vector<16xf32>
      %broadcast_in_dim3A_698 = arith.constant 15 : i32
      %broadcast_in_dim3A_699 = vector.broadcast %broadcast_in_dim3A_698 : i32 to vector<16xi32>
      %gather3A_700 = tpu.vector_load_idx %arg5[%add3A_615, %broadcast_in_dim3A_699] : memref<512x16xf32, #tpu.memory_space<vmem>>[vector<16xi32>, vector<16xi32>], vector<16xf32>,
      %exp3A_701 = math.exp %gather3A_700 : vector<16xf32>
      %add3A_702 = arith.addf %add3A_697, %exp3A_701 : vector<16xf32>
      %mul3A_703 = arith.mulf %mul3A_605, %add3A_702 : vector<16xf32>
      %gather3A_704 = tpu.vector_load_idx %arg6[%add3A_615] : memref<512xi32, #tpu.memory_space<vmem>>[vector<16xi32>], vector<16xi32>,
      %eq3A_705 = arith.constant 0 : i32
      %eq3A_706 = vector.broadcast %eq3A_705 : i32 to vector<16xi32>
      %eq3A_707 = arith.cmpi eq, %gather3A_704, %eq3A_706 : vector<16xi32>
      %select_n3A_708 = arith.select %eq3A_707, %gather3A_618, %gather3A_623 : vector<16xi1>, vector<16xf32>
      %add3A_709 = arith.addf %add3A_611, %select_n3A_708 : vector<16xf32>
      %add3A_710 = arith.constant 96 : i32
      %add3A_711 = arith.addi %mul3A_131, %add3A_710 : i32
      %add3A_712 = vector.broadcast %add3A_711 : i32 to vector<16xi32>
      %add3A_713 = arith.addi %add3A_712, %iota3A : vector<16xi32>
      %broadcast_in_dim3A_714 = arith.constant 0 : i32
      %broadcast_in_dim3A_715 = vector.broadcast %broadcast_in_dim3A_714 : i32 to vector<16xi32>
      %gather3A_716 = tpu.vector_load_idx %arg5[%add3A_713, %broadcast_in_dim3A_715] : memref<512x16xf32, #tpu.memory_space<vmem>>[vector<16xi32>, vector<16xi32>], vector<16xf32>,
      %exp3A_717 = math.exp %gather3A_716 : vector<16xf32>
      %add3A_718 = arith.addf %broadcast_in_dim3A_9, %exp3A_717 : vector<16xf32>
      %broadcast_in_dim3A_719 = arith.constant 1 : i32
      %broadcast_in_dim3A_720 = vector.broadcast %broadcast_in_dim3A_719 : i32 to vector<16xi32>
      %gather3A_721 = tpu.vector_load_idx %arg5[%add3A_713, %broadcast_in_dim3A_720] : memref<512x16xf32, #tpu.memory_space<vmem>>[vector<16xi32>, vector<16xi32>], vector<16xf32>,
      %exp3A_722 = math.exp %gather3A_721 : vector<16xf32>
      %add3A_723 = arith.addf %add3A_718, %exp3A_722 : vector<16xf32>
      %mul3A_724 = arith.mulf %mul3A_626, %add3A_723 : vector<16xf32>
      %broadcast_in_dim3A_725 = arith.constant 2 : i32
      %broadcast_in_dim3A_726 = vector.broadcast %broadcast_in_dim3A_725 : i32 to vector<16xi32>
      %gather3A_727 = tpu.vector_load_idx %arg5[%add3A_713, %broadcast_in_dim3A_726] : memref<512x16xf32, #tpu.memory_space<vmem>>[vector<16xi32>, vector<16xi32>], vector<16xf32>,
      %exp3A_728 = math.exp %gather3A_727 : vector<16xf32>
      %add3A_729 = arith.addf %add3A_723, %exp3A_728 : vector<16xf32>
      %broadcast_in_dim3A_730 = arith.constant 3 : i32
      %broadcast_in_dim3A_731 = vector.broadcast %broadcast_in_dim3A_730 : i32 to vector<16xi32>
      %gather3A_732 = tpu.vector_load_idx %arg5[%add3A_713, %broadcast_in_dim3A_731] : memref<512x16xf32, #tpu.memory_space<vmem>>[vector<16xi32>, vector<16xi32>], vector<16xf32>,
      %exp3A_733 = math.exp %gather3A_732 : vector<16xf32>
      %add3A_734 = arith.addf %add3A_729, %exp3A_733 : vector<16xf32>
      %mul3A_735 = arith.mulf %mul3A_637, %add3A_734 : vector<16xf32>
      %broadcast_in_dim3A_736 = arith.constant 4 : i32
      %broadcast_in_dim3A_737 = vector.broadcast %broadcast_in_dim3A_736 : i32 to vector<16xi32>
      %gather3A_738 = tpu.vector_load_idx %arg5[%add3A_713, %broadcast_in_dim3A_737] : memref<512x16xf32, #tpu.memory_space<vmem>>[vector<16xi32>, vector<16xi32>], vector<16xf32>,
      %exp3A_739 = math.exp %gather3A_738 : vector<16xf32>
      %add3A_740 = arith.addf %add3A_734, %exp3A_739 : vector<16xf32>
      %broadcast_in_dim3A_741 = arith.constant 5 : i32
      %broadcast_in_dim3A_742 = vector.broadcast %broadcast_in_dim3A_741 : i32 to vector<16xi32>
      %gather3A_743 = tpu.vector_load_idx %arg5[%add3A_713, %broadcast_in_dim3A_742] : memref<512x16xf32, #tpu.memory_space<vmem>>[vector<16xi32>, vector<16xi32>], vector<16xf32>,
      %exp3A_744 = math.exp %gather3A_743 : vector<16xf32>
      %add3A_745 = arith.addf %add3A_740, %exp3A_744 : vector<16xf32>
      %mul3A_746 = arith.mulf %mul3A_648, %add3A_745 : vector<16xf32>
      %broadcast_in_dim3A_747 = arith.constant 6 : i32
      %broadcast_in_dim3A_748 = vector.broadcast %broadcast_in_dim3A_747 : i32 to vector<16xi32>
      %gather3A_749 = tpu.vector_load_idx %arg5[%add3A_713, %broadcast_in_dim3A_748] : memref<512x16xf32, #tpu.memory_space<vmem>>[vector<16xi32>, vector<16xi32>], vector<16xf32>,
      %exp3A_750 = math.exp %gather3A_749 : vector<16xf32>
      %add3A_751 = arith.addf %add3A_745, %exp3A_750 : vector<16xf32>
      %broadcast_in_dim3A_752 = arith.constant 7 : i32
      %broadcast_in_dim3A_753 = vector.broadcast %broadcast_in_dim3A_752 : i32 to vector<16xi32>
      %gather3A_754 = tpu.vector_load_idx %arg5[%add3A_713, %broadcast_in_dim3A_753] : memref<512x16xf32, #tpu.memory_space<vmem>>[vector<16xi32>, vector<16xi32>], vector<16xf32>,
      %exp3A_755 = math.exp %gather3A_754 : vector<16xf32>
      %add3A_756 = arith.addf %add3A_751, %exp3A_755 : vector<16xf32>
      %mul3A_757 = arith.mulf %mul3A_659, %add3A_756 : vector<16xf32>
      %broadcast_in_dim3A_758 = arith.constant 8 : i32
      %broadcast_in_dim3A_759 = vector.broadcast %broadcast_in_dim3A_758 : i32 to vector<16xi32>
      %gather3A_760 = tpu.vector_load_idx %arg5[%add3A_713, %broadcast_in_dim3A_759] : memref<512x16xf32, #tpu.memory_space<vmem>>[vector<16xi32>, vector<16xi32>], vector<16xf32>,
      %exp3A_761 = math.exp %gather3A_760 : vector<16xf32>
      %add3A_762 = arith.addf %add3A_756, %exp3A_761 : vector<16xf32>
      %broadcast_in_dim3A_763 = arith.constant 9 : i32
      %broadcast_in_dim3A_764 = vector.broadcast %broadcast_in_dim3A_763 : i32 to vector<16xi32>
      %gather3A_765 = tpu.vector_load_idx %arg5[%add3A_713, %broadcast_in_dim3A_764] : memref<512x16xf32, #tpu.memory_space<vmem>>[vector<16xi32>, vector<16xi32>], vector<16xf32>,
      %exp3A_766 = math.exp %gather3A_765 : vector<16xf32>
      %add3A_767 = arith.addf %add3A_762, %exp3A_766 : vector<16xf32>
      %mul3A_768 = arith.mulf %mul3A_670, %add3A_767 : vector<16xf32>
      %broadcast_in_dim3A_769 = arith.constant 10 : i32
      %broadcast_in_dim3A_770 = vector.broadcast %broadcast_in_dim3A_769 : i32 to vector<16xi32>
      %gather3A_771 = tpu.vector_load_idx %arg5[%add3A_713, %broadcast_in_dim3A_770] : memref<512x16xf32, #tpu.memory_space<vmem>>[vector<16xi32>, vector<16xi32>], vector<16xf32>,
      %exp3A_772 = math.exp %gather3A_771 : vector<16xf32>
      %add3A_773 = arith.addf %add3A_767, %exp3A_772 : vector<16xf32>
      %broadcast_in_dim3A_774 = arith.constant 11 : i32
      %broadcast_in_dim3A_775 = vector.broadcast %broadcast_in_dim3A_774 : i32 to vector<16xi32>
      %gather3A_776 = tpu.vector_load_idx %arg5[%add3A_713, %broadcast_in_dim3A_775] : memref<512x16xf32, #tpu.memory_space<vmem>>[vector<16xi32>, vector<16xi32>], vector<16xf32>,
      %exp3A_777 = math.exp %gather3A_776 : vector<16xf32>
      %add3A_778 = arith.addf %add3A_773, %exp3A_777 : vector<16xf32>
      %mul3A_779 = arith.mulf %mul3A_681, %add3A_778 : vector<16xf32>
      %broadcast_in_dim3A_780 = arith.constant 12 : i32
      %broadcast_in_dim3A_781 = vector.broadcast %broadcast_in_dim3A_780 : i32 to vector<16xi32>
      %gather3A_782 = tpu.vector_load_idx %arg5[%add3A_713, %broadcast_in_dim3A_781] : memref<512x16xf32, #tpu.memory_space<vmem>>[vector<16xi32>, vector<16xi32>], vector<16xf32>,
      %exp3A_783 = math.exp %gather3A_782 : vector<16xf32>
      %add3A_784 = arith.addf %add3A_778, %exp3A_783 : vector<16xf32>
      %broadcast_in_dim3A_785 = arith.constant 13 : i32
      %broadcast_in_dim3A_786 = vector.broadcast %broadcast_in_dim3A_785 : i32 to vector<16xi32>
      %gather3A_787 = tpu.vector_load_idx %arg5[%add3A_713, %broadcast_in_dim3A_786] : memref<512x16xf32, #tpu.memory_space<vmem>>[vector<16xi32>, vector<16xi32>], vector<16xf32>,
      %exp3A_788 = math.exp %gather3A_787 : vector<16xf32>
      %add3A_789 = arith.addf %add3A_784, %exp3A_788 : vector<16xf32>
      %mul3A_790 = arith.mulf %mul3A_692, %add3A_789 : vector<16xf32>
      %broadcast_in_dim3A_791 = arith.constant 14 : i32
      %broadcast_in_dim3A_792 = vector.broadcast %broadcast_in_dim3A_791 : i32 to vector<16xi32>
      %gather3A_793 = tpu.vector_load_idx %arg5[%add3A_713, %broadcast_in_dim3A_792] : memref<512x16xf32, #tpu.memory_space<vmem>>[vector<16xi32>, vector<16xi32>], vector<16xf32>,
      %exp3A_794 = math.exp %gather3A_793 : vector<16xf32>
      %add3A_795 = arith.addf %add3A_789, %exp3A_794 : vector<16xf32>
      %broadcast_in_dim3A_796 = arith.constant 15 : i32
      %broadcast_in_dim3A_797 = vector.broadcast %broadcast_in_dim3A_796 : i32 to vector<16xi32>
      %gather3A_798 = tpu.vector_load_idx %arg5[%add3A_713, %broadcast_in_dim3A_797] : memref<512x16xf32, #tpu.memory_space<vmem>>[vector<16xi32>, vector<16xi32>], vector<16xf32>,
      %exp3A_799 = math.exp %gather3A_798 : vector<16xf32>
      %add3A_800 = arith.addf %add3A_795, %exp3A_799 : vector<16xf32>
      %mul3A_801 = arith.mulf %mul3A_703, %add3A_800 : vector<16xf32>
      %gather3A_802 = tpu.vector_load_idx %arg6[%add3A_713] : memref<512xi32, #tpu.memory_space<vmem>>[vector<16xi32>], vector<16xi32>,
      %eq3A_803 = arith.constant 0 : i32
      %eq3A_804 = vector.broadcast %eq3A_803 : i32 to vector<16xi32>
      %eq3A_805 = arith.cmpi eq, %gather3A_802, %eq3A_804 : vector<16xi32>
      %select_n3A_806 = arith.select %eq3A_805, %gather3A_716, %gather3A_721 : vector<16xi1>, vector<16xf32>
      %add3A_807 = arith.addf %add3A_709, %select_n3A_806 : vector<16xf32>
      %add3A_808 = arith.constant 112 : i32
      %add3A_809 = arith.addi %mul3A_131, %add3A_808 : i32
      %add3A_810 = vector.broadcast %add3A_809 : i32 to vector<16xi32>
      %add3A_811 = arith.addi %add3A_810, %iota3A : vector<16xi32>
      %broadcast_in_dim3A_812 = arith.constant 0 : i32
      %broadcast_in_dim3A_813 = vector.broadcast %broadcast_in_dim3A_812 : i32 to vector<16xi32>
      %gather3A_814 = tpu.vector_load_idx %arg5[%add3A_811, %broadcast_in_dim3A_813] : memref<512x16xf32, #tpu.memory_space<vmem>>[vector<16xi32>, vector<16xi32>], vector<16xf32>,
      %exp3A_815 = math.exp %gather3A_814 : vector<16xf32>
      %add3A_816 = arith.addf %broadcast_in_dim3A_9, %exp3A_815 : vector<16xf32>
      %broadcast_in_dim3A_817 = arith.constant 1 : i32
      %broadcast_in_dim3A_818 = vector.broadcast %broadcast_in_dim3A_817 : i32 to vector<16xi32>
      %gather3A_819 = tpu.vector_load_idx %arg5[%add3A_811, %broadcast_in_dim3A_818] : memref<512x16xf32, #tpu.memory_space<vmem>>[vector<16xi32>, vector<16xi32>], vector<16xf32>,
      %exp3A_820 = math.exp %gather3A_819 : vector<16xf32>
      %add3A_821 = arith.addf %add3A_816, %exp3A_820 : vector<16xf32>
      %mul3A_822 = arith.mulf %mul3A_724, %add3A_821 : vector<16xf32>
      %broadcast_in_dim3A_823 = arith.constant 2 : i32
      %broadcast_in_dim3A_824 = vector.broadcast %broadcast_in_dim3A_823 : i32 to vector<16xi32>
      %gather3A_825 = tpu.vector_load_idx %arg5[%add3A_811, %broadcast_in_dim3A_824] : memref<512x16xf32, #tpu.memory_space<vmem>>[vector<16xi32>, vector<16xi32>], vector<16xf32>,
      %exp3A_826 = math.exp %gather3A_825 : vector<16xf32>
      %add3A_827 = arith.addf %add3A_821, %exp3A_826 : vector<16xf32>
      %broadcast_in_dim3A_828 = arith.constant 3 : i32
      %broadcast_in_dim3A_829 = vector.broadcast %broadcast_in_dim3A_828 : i32 to vector<16xi32>
      %gather3A_830 = tpu.vector_load_idx %arg5[%add3A_811, %broadcast_in_dim3A_829] : memref<512x16xf32, #tpu.memory_space<vmem>>[vector<16xi32>, vector<16xi32>], vector<16xf32>,
      %exp3A_831 = math.exp %gather3A_830 : vector<16xf32>
      %add3A_832 = arith.addf %add3A_827, %exp3A_831 : vector<16xf32>
      %mul3A_833 = arith.mulf %mul3A_735, %add3A_832 : vector<16xf32>
      %broadcast_in_dim3A_834 = arith.constant 4 : i32
      %broadcast_in_dim3A_835 = vector.broadcast %broadcast_in_dim3A_834 : i32 to vector<16xi32>
      %gather3A_836 = tpu.vector_load_idx %arg5[%add3A_811, %broadcast_in_dim3A_835] : memref<512x16xf32, #tpu.memory_space<vmem>>[vector<16xi32>, vector<16xi32>], vector<16xf32>,
      %exp3A_837 = math.exp %gather3A_836 : vector<16xf32>
      %add3A_838 = arith.addf %add3A_832, %exp3A_837 : vector<16xf32>
      %broadcast_in_dim3A_839 = arith.constant 5 : i32
      %broadcast_in_dim3A_840 = vector.broadcast %broadcast_in_dim3A_839 : i32 to vector<16xi32>
      %gather3A_841 = tpu.vector_load_idx %arg5[%add3A_811, %broadcast_in_dim3A_840] : memref<512x16xf32, #tpu.memory_space<vmem>>[vector<16xi32>, vector<16xi32>], vector<16xf32>,
      %exp3A_842 = math.exp %gather3A_841 : vector<16xf32>
      %add3A_843 = arith.addf %add3A_838, %exp3A_842 : vector<16xf32>
      %mul3A_844 = arith.mulf %mul3A_746, %add3A_843 : vector<16xf32>
      %broadcast_in_dim3A_845 = arith.constant 6 : i32
      %broadcast_in_dim3A_846 = vector.broadcast %broadcast_in_dim3A_845 : i32 to vector<16xi32>
      %gather3A_847 = tpu.vector_load_idx %arg5[%add3A_811, %broadcast_in_dim3A_846] : memref<512x16xf32, #tpu.memory_space<vmem>>[vector<16xi32>, vector<16xi32>], vector<16xf32>,
      %exp3A_848 = math.exp %gather3A_847 : vector<16xf32>
      %add3A_849 = arith.addf %add3A_843, %exp3A_848 : vector<16xf32>
      %broadcast_in_dim3A_850 = arith.constant 7 : i32
      %broadcast_in_dim3A_851 = vector.broadcast %broadcast_in_dim3A_850 : i32 to vector<16xi32>
      %gather3A_852 = tpu.vector_load_idx %arg5[%add3A_811, %broadcast_in_dim3A_851] : memref<512x16xf32, #tpu.memory_space<vmem>>[vector<16xi32>, vector<16xi32>], vector<16xf32>,
      %exp3A_853 = math.exp %gather3A_852 : vector<16xf32>
      %add3A_854 = arith.addf %add3A_849, %exp3A_853 : vector<16xf32>
      %mul3A_855 = arith.mulf %mul3A_757, %add3A_854 : vector<16xf32>
      %broadcast_in_dim3A_856 = arith.constant 8 : i32
      %broadcast_in_dim3A_857 = vector.broadcast %broadcast_in_dim3A_856 : i32 to vector<16xi32>
      %gather3A_858 = tpu.vector_load_idx %arg5[%add3A_811, %broadcast_in_dim3A_857] : memref<512x16xf32, #tpu.memory_space<vmem>>[vector<16xi32>, vector<16xi32>], vector<16xf32>,
      %exp3A_859 = math.exp %gather3A_858 : vector<16xf32>
      %add3A_860 = arith.addf %add3A_854, %exp3A_859 : vector<16xf32>
      %broadcast_in_dim3A_861 = arith.constant 9 : i32
      %broadcast_in_dim3A_862 = vector.broadcast %broadcast_in_dim3A_861 : i32 to vector<16xi32>
      %gather3A_863 = tpu.vector_load_idx %arg5[%add3A_811, %broadcast_in_dim3A_862] : memref<512x16xf32, #tpu.memory_space<vmem>>[vector<16xi32>, vector<16xi32>], vector<16xf32>,
      %exp3A_864 = math.exp %gather3A_863 : vector<16xf32>
      %add3A_865 = arith.addf %add3A_860, %exp3A_864 : vector<16xf32>
      %mul3A_866 = arith.mulf %mul3A_768, %add3A_865 : vector<16xf32>
      %broadcast_in_dim3A_867 = arith.constant 10 : i32
      %broadcast_in_dim3A_868 = vector.broadcast %broadcast_in_dim3A_867 : i32 to vector<16xi32>
      %gather3A_869 = tpu.vector_load_idx %arg5[%add3A_811, %broadcast_in_dim3A_868] : memref<512x16xf32, #tpu.memory_space<vmem>>[vector<16xi32>, vector<16xi32>], vector<16xf32>,
      %exp3A_870 = math.exp %gather3A_869 : vector<16xf32>
      %add3A_871 = arith.addf %add3A_865, %exp3A_870 : vector<16xf32>
      %broadcast_in_dim3A_872 = arith.constant 11 : i32
      %broadcast_in_dim3A_873 = vector.broadcast %broadcast_in_dim3A_872 : i32 to vector<16xi32>
      %gather3A_874 = tpu.vector_load_idx %arg5[%add3A_811, %broadcast_in_dim3A_873] : memref<512x16xf32, #tpu.memory_space<vmem>>[vector<16xi32>, vector<16xi32>], vector<16xf32>,
      %exp3A_875 = math.exp %gather3A_874 : vector<16xf32>
      %add3A_876 = arith.addf %add3A_871, %exp3A_875 : vector<16xf32>
      %mul3A_877 = arith.mulf %mul3A_779, %add3A_876 : vector<16xf32>
      %broadcast_in_dim3A_878 = arith.constant 12 : i32
      %broadcast_in_dim3A_879 = vector.broadcast %broadcast_in_dim3A_878 : i32 to vector<16xi32>
      %gather3A_880 = tpu.vector_load_idx %arg5[%add3A_811, %broadcast_in_dim3A_879] : memref<512x16xf32, #tpu.memory_space<vmem>>[vector<16xi32>, vector<16xi32>], vector<16xf32>,
      %exp3A_881 = math.exp %gather3A_880 : vector<16xf32>
      %add3A_882 = arith.addf %add3A_876, %exp3A_881 : vector<16xf32>
      %broadcast_in_dim3A_883 = arith.constant 13 : i32
      %broadcast_in_dim3A_884 = vector.broadcast %broadcast_in_dim3A_883 : i32 to vector<16xi32>
      %gather3A_885 = tpu.vector_load_idx %arg5[%add3A_811, %broadcast_in_dim3A_884] : memref<512x16xf32, #tpu.memory_space<vmem>>[vector<16xi32>, vector<16xi32>], vector<16xf32>,
      %exp3A_886 = math.exp %gather3A_885 : vector<16xf32>
      %add3A_887 = arith.addf %add3A_882, %exp3A_886 : vector<16xf32>
      %mul3A_888 = arith.mulf %mul3A_790, %add3A_887 : vector<16xf32>
      %broadcast_in_dim3A_889 = arith.constant 14 : i32
      %broadcast_in_dim3A_890 = vector.broadcast %broadcast_in_dim3A_889 : i32 to vector<16xi32>
      %gather3A_891 = tpu.vector_load_idx %arg5[%add3A_811, %broadcast_in_dim3A_890] : memref<512x16xf32, #tpu.memory_space<vmem>>[vector<16xi32>, vector<16xi32>], vector<16xf32>,
      %exp3A_892 = math.exp %gather3A_891 : vector<16xf32>
      %add3A_893 = arith.addf %add3A_887, %exp3A_892 : vector<16xf32>
      %broadcast_in_dim3A_894 = arith.constant 15 : i32
      %broadcast_in_dim3A_895 = vector.broadcast %broadcast_in_dim3A_894 : i32 to vector<16xi32>
      %gather3A_896 = tpu.vector_load_idx %arg5[%add3A_811, %broadcast_in_dim3A_895] : memref<512x16xf32, #tpu.memory_space<vmem>>[vector<16xi32>, vector<16xi32>], vector<16xf32>,
      %exp3A_897 = math.exp %gather3A_896 : vector<16xf32>
      %add3A_898 = arith.addf %add3A_893, %exp3A_897 : vector<16xf32>
      %mul3A_899 = arith.mulf %mul3A_801, %add3A_898 : vector<16xf32>
      %gather3A_900 = tpu.vector_load_idx %arg6[%add3A_811] : memref<512xi32, #tpu.memory_space<vmem>>[vector<16xi32>], vector<16xi32>,
      %eq3A_901 = arith.constant 0 : i32
      %eq3A_902 = vector.broadcast %eq3A_901 : i32 to vector<16xi32>
      %eq3A_903 = arith.cmpi eq, %gather3A_900, %eq3A_902 : vector<16xi32>
      %select_n3A_904 = arith.select %eq3A_903, %gather3A_814, %gather3A_819 : vector<16xi1>, vector<16xf32>
      %add3A_905 = arith.addf %add3A_807, %select_n3A_904 : vector<16xf32>
      %bitcast3A = vector.bitcast %mul3A_822 : vector<16xf32> to vector<16xi32>
      %shift_right_arithmetic3A = arith.constant 23 : i32
      %shift_right_arithmetic3A_906 = vector.broadcast %shift_right_arithmetic3A : i32 to vector<16xi32>
      %shift_right_arithmetic3A_907 = arith.shrsi %bitcast3A, %shift_right_arithmetic3A_906 : vector<16xi32>
      %sub3A = arith.constant 127 : i32
      %sub3A_908 = vector.broadcast %sub3A : i32 to vector<16xi32>
      %sub3A_909 = arith.subi %shift_right_arithmetic3A_907, %sub3A_908 : vector<16xi32>
      %and3A = arith.constant 8388607 : i32
      %and3A_910 = vector.broadcast %and3A : i32 to vector<16xi32>
      %and3A_911 = arith.andi %bitcast3A, %and3A_910 : vector<16xi32>
      %or3A = arith.constant 1065353216 : i32
      %or3A_912 = vector.broadcast %or3A : i32 to vector<16xi32>
      %or3A_913 = arith.ori %and3A_911, %or3A_912 : vector<16xi32>
      %bitcast3A_914 = vector.bitcast %or3A_913 : vector<16xi32> to vector<16xf32>
      %sub3A_915 = arith.constant 1.000000e+00 : f32
      %sub3A_916 = vector.broadcast %sub3A_915 : f32 to vector<16xf32>
      %sub3A_917 = arith.subf %bitcast3A_914, %sub3A_916 : vector<16xf32>
      %add3A_918 = arith.constant 1.000000e+00 : f32
      %add3A_919 = vector.broadcast %add3A_918 : f32 to vector<16xf32>
      %add3A_920 = arith.addf %bitcast3A_914, %add3A_919 : vector<16xf32>
      %div3A = arith.divf %sub3A_917, %add3A_920 : vector<16xf32>
      %mul3A_921 = arith.mulf %div3A, %div3A : vector<16xf32>
      %mul3A_922 = arith.constant 0.111111112 : f32
      %mul3A_923 = vector.broadcast %mul3A_922 : f32 to vector<16xf32>
      %mul3A_924 = arith.mulf %mul3A_921, %mul3A_923 : vector<16xf32>
      %add3A_925 = arith.constant 0.142857149 : f32
      %add3A_926 = vector.broadcast %add3A_925 : f32 to vector<16xf32>
      %add3A_927 = arith.addf %mul3A_924, %add3A_926 : vector<16xf32>
      %mul3A_928 = arith.mulf %mul3A_921, %add3A_927 : vector<16xf32>
      %add3A_929 = arith.constant 2.000000e-01 : f32
      %add3A_930 = vector.broadcast %add3A_929 : f32 to vector<16xf32>
      %add3A_931 = arith.addf %mul3A_928, %add3A_930 : vector<16xf32>
      %mul3A_932 = arith.mulf %mul3A_921, %add3A_931 : vector<16xf32>
      %add3A_933 = arith.constant 0.333333343 : f32
      %add3A_934 = vector.broadcast %add3A_933 : f32 to vector<16xf32>
      %add3A_935 = arith.addf %mul3A_932, %add3A_934 : vector<16xf32>
      %mul3A_936 = arith.mulf %mul3A_921, %add3A_935 : vector<16xf32>
      %add3A_937 = arith.constant 1.000000e+00 : f32
      %add3A_938 = vector.broadcast %add3A_937 : f32 to vector<16xf32>
      %add3A_939 = arith.addf %mul3A_936, %add3A_938 : vector<16xf32>
      %convert_element_type3A = arith.sitofp %sub3A_909 : vector<16xi32> to vector<16xf32>
      %mul3A_940 = arith.constant 0.693147182 : f32
      %mul3A_941 = vector.broadcast %mul3A_940 : f32 to vector<16xf32>
      %mul3A_942 = arith.mulf %convert_element_type3A, %mul3A_941 : vector<16xf32>
      %mul3A_943 = arith.constant 2.000000e+00 : f32
      %mul3A_944 = vector.broadcast %mul3A_943 : f32 to vector<16xf32>
      %mul3A_945 = arith.mulf %mul3A_944, %div3A : vector<16xf32>
      %mul3A_946 = arith.mulf %mul3A_945, %add3A_939 : vector<16xf32>
      %add3A_947 = arith.addf %mul3A_942, %mul3A_946 : vector<16xf32>
      %add3A_948 = arith.addf %scan3A_121, %add3A_947 : vector<16xf32>
      %bitcast3A_949 = vector.bitcast %mul3A_833 : vector<16xf32> to vector<16xi32>
      %shift_right_arithmetic3A_950 = arith.constant 23 : i32
      %shift_right_arithmetic3A_951 = vector.broadcast %shift_right_arithmetic3A_950 : i32 to vector<16xi32>
      %shift_right_arithmetic3A_952 = arith.shrsi %bitcast3A_949, %shift_right_arithmetic3A_951 : vector<16xi32>
      %sub3A_953 = arith.constant 127 : i32
      %sub3A_954 = vector.broadcast %sub3A_953 : i32 to vector<16xi32>
      %sub3A_955 = arith.subi %shift_right_arithmetic3A_952, %sub3A_954 : vector<16xi32>
      %and3A_956 = arith.constant 8388607 : i32
      %and3A_957 = vector.broadcast %and3A_956 : i32 to vector<16xi32>
      %and3A_958 = arith.andi %bitcast3A_949, %and3A_957 : vector<16xi32>
      %or3A_959 = arith.constant 1065353216 : i32
      %or3A_960 = vector.broadcast %or3A_959 : i32 to vector<16xi32>
      %or3A_961 = arith.ori %and3A_958, %or3A_960 : vector<16xi32>
      %bitcast3A_962 = vector.bitcast %or3A_961 : vector<16xi32> to vector<16xf32>
      %sub3A_963 = arith.constant 1.000000e+00 : f32
      %sub3A_964 = vector.broadcast %sub3A_963 : f32 to vector<16xf32>
      %sub3A_965 = arith.subf %bitcast3A_962, %sub3A_964 : vector<16xf32>
      %add3A_966 = arith.constant 1.000000e+00 : f32
      %add3A_967 = vector.broadcast %add3A_966 : f32 to vector<16xf32>
      %add3A_968 = arith.addf %bitcast3A_962, %add3A_967 : vector<16xf32>
      %div3A_969 = arith.divf %sub3A_965, %add3A_968 : vector<16xf32>
      %mul3A_970 = arith.mulf %div3A_969, %div3A_969 : vector<16xf32>
      %mul3A_971 = arith.constant 0.111111112 : f32
      %mul3A_972 = vector.broadcast %mul3A_971 : f32 to vector<16xf32>
      %mul3A_973 = arith.mulf %mul3A_970, %mul3A_972 : vector<16xf32>
      %add3A_974 = arith.constant 0.142857149 : f32
      %add3A_975 = vector.broadcast %add3A_974 : f32 to vector<16xf32>
      %add3A_976 = arith.addf %mul3A_973, %add3A_975 : vector<16xf32>
      %mul3A_977 = arith.mulf %mul3A_970, %add3A_976 : vector<16xf32>
      %add3A_978 = arith.constant 2.000000e-01 : f32
      %add3A_979 = vector.broadcast %add3A_978 : f32 to vector<16xf32>
      %add3A_980 = arith.addf %mul3A_977, %add3A_979 : vector<16xf32>
      %mul3A_981 = arith.mulf %mul3A_970, %add3A_980 : vector<16xf32>
      %add3A_982 = arith.constant 0.333333343 : f32
      %add3A_983 = vector.broadcast %add3A_982 : f32 to vector<16xf32>
      %add3A_984 = arith.addf %mul3A_981, %add3A_983 : vector<16xf32>
      %mul3A_985 = arith.mulf %mul3A_970, %add3A_984 : vector<16xf32>
      %add3A_986 = arith.constant 1.000000e+00 : f32
      %add3A_987 = vector.broadcast %add3A_986 : f32 to vector<16xf32>
      %add3A_988 = arith.addf %mul3A_985, %add3A_987 : vector<16xf32>
      %convert_element_type3A_989 = arith.sitofp %sub3A_955 : vector<16xi32> to vector<16xf32>
      %mul3A_990 = arith.constant 0.693147182 : f32
      %mul3A_991 = vector.broadcast %mul3A_990 : f32 to vector<16xf32>
      %mul3A_992 = arith.mulf %convert_element_type3A_989, %mul3A_991 : vector<16xf32>
      %mul3A_993 = arith.constant 2.000000e+00 : f32
      %mul3A_994 = vector.broadcast %mul3A_993 : f32 to vector<16xf32>
      %mul3A_995 = arith.mulf %mul3A_994, %div3A_969 : vector<16xf32>
      %mul3A_996 = arith.mulf %mul3A_995, %add3A_988 : vector<16xf32>
      %add3A_997 = arith.addf %mul3A_992, %mul3A_996 : vector<16xf32>
      %add3A_998 = arith.addf %scan3A_122, %add3A_997 : vector<16xf32>
      %bitcast3A_999 = vector.bitcast %mul3A_844 : vector<16xf32> to vector<16xi32>
      %shift_right_arithmetic3A_1000 = arith.constant 23 : i32
      %shift_right_arithmetic3A_1001 = vector.broadcast %shift_right_arithmetic3A_1000 : i32 to vector<16xi32>
      %shift_right_arithmetic3A_1002 = arith.shrsi %bitcast3A_999, %shift_right_arithmetic3A_1001 : vector<16xi32>
      %sub3A_1003 = arith.constant 127 : i32
      %sub3A_1004 = vector.broadcast %sub3A_1003 : i32 to vector<16xi32>
      %sub3A_1005 = arith.subi %shift_right_arithmetic3A_1002, %sub3A_1004 : vector<16xi32>
      %and3A_1006 = arith.constant 8388607 : i32
      %and3A_1007 = vector.broadcast %and3A_1006 : i32 to vector<16xi32>
      %and3A_1008 = arith.andi %bitcast3A_999, %and3A_1007 : vector<16xi32>
      %or3A_1009 = arith.constant 1065353216 : i32
      %or3A_1010 = vector.broadcast %or3A_1009 : i32 to vector<16xi32>
      %or3A_1011 = arith.ori %and3A_1008, %or3A_1010 : vector<16xi32>
      %bitcast3A_1012 = vector.bitcast %or3A_1011 : vector<16xi32> to vector<16xf32>
      %sub3A_1013 = arith.constant 1.000000e+00 : f32
      %sub3A_1014 = vector.broadcast %sub3A_1013 : f32 to vector<16xf32>
      %sub3A_1015 = arith.subf %bitcast3A_1012, %sub3A_1014 : vector<16xf32>
      %add3A_1016 = arith.constant 1.000000e+00 : f32
      %add3A_1017 = vector.broadcast %add3A_1016 : f32 to vector<16xf32>
      %add3A_1018 = arith.addf %bitcast3A_1012, %add3A_1017 : vector<16xf32>
      %div3A_1019 = arith.divf %sub3A_1015, %add3A_1018 : vector<16xf32>
      %mul3A_1020 = arith.mulf %div3A_1019, %div3A_1019 : vector<16xf32>
      %mul3A_1021 = arith.constant 0.111111112 : f32
      %mul3A_1022 = vector.broadcast %mul3A_1021 : f32 to vector<16xf32>
      %mul3A_1023 = arith.mulf %mul3A_1020, %mul3A_1022 : vector<16xf32>
      %add3A_1024 = arith.constant 0.142857149 : f32
      %add3A_1025 = vector.broadcast %add3A_1024 : f32 to vector<16xf32>
      %add3A_1026 = arith.addf %mul3A_1023, %add3A_1025 : vector<16xf32>
      %mul3A_1027 = arith.mulf %mul3A_1020, %add3A_1026 : vector<16xf32>
      %add3A_1028 = arith.constant 2.000000e-01 : f32
      %add3A_1029 = vector.broadcast %add3A_1028 : f32 to vector<16xf32>
      %add3A_1030 = arith.addf %mul3A_1027, %add3A_1029 : vector<16xf32>
      %mul3A_1031 = arith.mulf %mul3A_1020, %add3A_1030 : vector<16xf32>
      %add3A_1032 = arith.constant 0.333333343 : f32
      %add3A_1033 = vector.broadcast %add3A_1032 : f32 to vector<16xf32>
      %add3A_1034 = arith.addf %mul3A_1031, %add3A_1033 : vector<16xf32>
      %mul3A_1035 = arith.mulf %mul3A_1020, %add3A_1034 : vector<16xf32>
      %add3A_1036 = arith.constant 1.000000e+00 : f32
      %add3A_1037 = vector.broadcast %add3A_1036 : f32 to vector<16xf32>
      %add3A_1038 = arith.addf %mul3A_1035, %add3A_1037 : vector<16xf32>
      %convert_element_type3A_1039 = arith.sitofp %sub3A_1005 : vector<16xi32> to vector<16xf32>
      %mul3A_1040 = arith.constant 0.693147182 : f32
      %mul3A_1041 = vector.broadcast %mul3A_1040 : f32 to vector<16xf32>
      %mul3A_1042 = arith.mulf %convert_element_type3A_1039, %mul3A_1041 : vector<16xf32>
      %mul3A_1043 = arith.constant 2.000000e+00 : f32
      %mul3A_1044 = vector.broadcast %mul3A_1043 : f32 to vector<16xf32>
      %mul3A_1045 = arith.mulf %mul3A_1044, %div3A_1019 : vector<16xf32>
      %mul3A_1046 = arith.mulf %mul3A_1045, %add3A_1038 : vector<16xf32>
      %add3A_1047 = arith.addf %mul3A_1042, %mul3A_1046 : vector<16xf32>
      %add3A_1048 = arith.addf %scan3A_123, %add3A_1047 : vector<16xf32>
      %bitcast3A_1049 = vector.bitcast %mul3A_855 : vector<16xf32> to vector<16xi32>
      %shift_right_arithmetic3A_1050 = arith.constant 23 : i32
      %shift_right_arithmetic3A_1051 = vector.broadcast %shift_right_arithmetic3A_1050 : i32 to vector<16xi32>
      %shift_right_arithmetic3A_1052 = arith.shrsi %bitcast3A_1049, %shift_right_arithmetic3A_1051 : vector<16xi32>
      %sub3A_1053 = arith.constant 127 : i32
      %sub3A_1054 = vector.broadcast %sub3A_1053 : i32 to vector<16xi32>
      %sub3A_1055 = arith.subi %shift_right_arithmetic3A_1052, %sub3A_1054 : vector<16xi32>
      %and3A_1056 = arith.constant 8388607 : i32
      %and3A_1057 = vector.broadcast %and3A_1056 : i32 to vector<16xi32>
      %and3A_1058 = arith.andi %bitcast3A_1049, %and3A_1057 : vector<16xi32>
      %or3A_1059 = arith.constant 1065353216 : i32
      %or3A_1060 = vector.broadcast %or3A_1059 : i32 to vector<16xi32>
      %or3A_1061 = arith.ori %and3A_1058, %or3A_1060 : vector<16xi32>
      %bitcast3A_1062 = vector.bitcast %or3A_1061 : vector<16xi32> to vector<16xf32>
      %sub3A_1063 = arith.constant 1.000000e+00 : f32
      %sub3A_1064 = vector.broadcast %sub3A_1063 : f32 to vector<16xf32>
      %sub3A_1065 = arith.subf %bitcast3A_1062, %sub3A_1064 : vector<16xf32>
      %add3A_1066 = arith.constant 1.000000e+00 : f32
      %add3A_1067 = vector.broadcast %add3A_1066 : f32 to vector<16xf32>
      %add3A_1068 = arith.addf %bitcast3A_1062, %add3A_1067 : vector<16xf32>
      %div3A_1069 = arith.divf %sub3A_1065, %add3A_1068 : vector<16xf32>
      %mul3A_1070 = arith.mulf %div3A_1069, %div3A_1069 : vector<16xf32>
      %mul3A_1071 = arith.constant 0.111111112 : f32
      %mul3A_1072 = vector.broadcast %mul3A_1071 : f32 to vector<16xf32>
      %mul3A_1073 = arith.mulf %mul3A_1070, %mul3A_1072 : vector<16xf32>
      %add3A_1074 = arith.constant 0.142857149 : f32
      %add3A_1075 = vector.broadcast %add3A_1074 : f32 to vector<16xf32>
      %add3A_1076 = arith.addf %mul3A_1073, %add3A_1075 : vector<16xf32>
      %mul3A_1077 = arith.mulf %mul3A_1070, %add3A_1076 : vector<16xf32>
      %add3A_1078 = arith.constant 2.000000e-01 : f32
      %add3A_1079 = vector.broadcast %add3A_1078 : f32 to vector<16xf32>
      %add3A_1080 = arith.addf %mul3A_1077, %add3A_1079 : vector<16xf32>
      %mul3A_1081 = arith.mulf %mul3A_1070, %add3A_1080 : vector<16xf32>
      %add3A_1082 = arith.constant 0.333333343 : f32
      %add3A_1083 = vector.broadcast %add3A_1082 : f32 to vector<16xf32>
      %add3A_1084 = arith.addf %mul3A_1081, %add3A_1083 : vector<16xf32>
      %mul3A_1085 = arith.mulf %mul3A_1070, %add3A_1084 : vector<16xf32>
      %add3A_1086 = arith.constant 1.000000e+00 : f32
      %add3A_1087 = vector.broadcast %add3A_1086 : f32 to vector<16xf32>
      %add3A_1088 = arith.addf %mul3A_1085, %add3A_1087 : vector<16xf32>
      %convert_element_type3A_1089 = arith.sitofp %sub3A_1055 : vector<16xi32> to vector<16xf32>
      %mul3A_1090 = arith.constant 0.693147182 : f32
      %mul3A_1091 = vector.broadcast %mul3A_1090 : f32 to vector<16xf32>
      %mul3A_1092 = arith.mulf %convert_element_type3A_1089, %mul3A_1091 : vector<16xf32>
      %mul3A_1093 = arith.constant 2.000000e+00 : f32
      %mul3A_1094 = vector.broadcast %mul3A_1093 : f32 to vector<16xf32>
      %mul3A_1095 = arith.mulf %mul3A_1094, %div3A_1069 : vector<16xf32>
      %mul3A_1096 = arith.mulf %mul3A_1095, %add3A_1088 : vector<16xf32>
      %add3A_1097 = arith.addf %mul3A_1092, %mul3A_1096 : vector<16xf32>
      %add3A_1098 = arith.addf %scan3A_124, %add3A_1097 : vector<16xf32>
      %bitcast3A_1099 = vector.bitcast %mul3A_866 : vector<16xf32> to vector<16xi32>
      %shift_right_arithmetic3A_1100 = arith.constant 23 : i32
      %shift_right_arithmetic3A_1101 = vector.broadcast %shift_right_arithmetic3A_1100 : i32 to vector<16xi32>
      %shift_right_arithmetic3A_1102 = arith.shrsi %bitcast3A_1099, %shift_right_arithmetic3A_1101 : vector<16xi32>
      %sub3A_1103 = arith.constant 127 : i32
      %sub3A_1104 = vector.broadcast %sub3A_1103 : i32 to vector<16xi32>
      %sub3A_1105 = arith.subi %shift_right_arithmetic3A_1102, %sub3A_1104 : vector<16xi32>
      %and3A_1106 = arith.constant 8388607 : i32
      %and3A_1107 = vector.broadcast %and3A_1106 : i32 to vector<16xi32>
      %and3A_1108 = arith.andi %bitcast3A_1099, %and3A_1107 : vector<16xi32>
      %or3A_1109 = arith.constant 1065353216 : i32
      %or3A_1110 = vector.broadcast %or3A_1109 : i32 to vector<16xi32>
      %or3A_1111 = arith.ori %and3A_1108, %or3A_1110 : vector<16xi32>
      %bitcast3A_1112 = vector.bitcast %or3A_1111 : vector<16xi32> to vector<16xf32>
      %sub3A_1113 = arith.constant 1.000000e+00 : f32
      %sub3A_1114 = vector.broadcast %sub3A_1113 : f32 to vector<16xf32>
      %sub3A_1115 = arith.subf %bitcast3A_1112, %sub3A_1114 : vector<16xf32>
      %add3A_1116 = arith.constant 1.000000e+00 : f32
      %add3A_1117 = vector.broadcast %add3A_1116 : f32 to vector<16xf32>
      %add3A_1118 = arith.addf %bitcast3A_1112, %add3A_1117 : vector<16xf32>
      %div3A_1119 = arith.divf %sub3A_1115, %add3A_1118 : vector<16xf32>
      %mul3A_1120 = arith.mulf %div3A_1119, %div3A_1119 : vector<16xf32>
      %mul3A_1121 = arith.constant 0.111111112 : f32
      %mul3A_1122 = vector.broadcast %mul3A_1121 : f32 to vector<16xf32>
      %mul3A_1123 = arith.mulf %mul3A_1120, %mul3A_1122 : vector<16xf32>
      %add3A_1124 = arith.constant 0.142857149 : f32
      %add3A_1125 = vector.broadcast %add3A_1124 : f32 to vector<16xf32>
      %add3A_1126 = arith.addf %mul3A_1123, %add3A_1125 : vector<16xf32>
      %mul3A_1127 = arith.mulf %mul3A_1120, %add3A_1126 : vector<16xf32>
      %add3A_1128 = arith.constant 2.000000e-01 : f32
      %add3A_1129 = vector.broadcast %add3A_1128 : f32 to vector<16xf32>
      %add3A_1130 = arith.addf %mul3A_1127, %add3A_1129 : vector<16xf32>
      %mul3A_1131 = arith.mulf %mul3A_1120, %add3A_1130 : vector<16xf32>
      %add3A_1132 = arith.constant 0.333333343 : f32
      %add3A_1133 = vector.broadcast %add3A_1132 : f32 to vector<16xf32>
      %add3A_1134 = arith.addf %mul3A_1131, %add3A_1133 : vector<16xf32>
      %mul3A_1135 = arith.mulf %mul3A_1120, %add3A_1134 : vector<16xf32>
      %add3A_1136 = arith.constant 1.000000e+00 : f32
      %add3A_1137 = vector.broadcast %add3A_1136 : f32 to vector<16xf32>
      %add3A_1138 = arith.addf %mul3A_1135, %add3A_1137 : vector<16xf32>
      %convert_element_type3A_1139 = arith.sitofp %sub3A_1105 : vector<16xi32> to vector<16xf32>
      %mul3A_1140 = arith.constant 0.693147182 : f32
      %mul3A_1141 = vector.broadcast %mul3A_1140 : f32 to vector<16xf32>
      %mul3A_1142 = arith.mulf %convert_element_type3A_1139, %mul3A_1141 : vector<16xf32>
      %mul3A_1143 = arith.constant 2.000000e+00 : f32
      %mul3A_1144 = vector.broadcast %mul3A_1143 : f32 to vector<16xf32>
      %mul3A_1145 = arith.mulf %mul3A_1144, %div3A_1119 : vector<16xf32>
      %mul3A_1146 = arith.mulf %mul3A_1145, %add3A_1138 : vector<16xf32>
      %add3A_1147 = arith.addf %mul3A_1142, %mul3A_1146 : vector<16xf32>
      %add3A_1148 = arith.addf %scan3A_125, %add3A_1147 : vector<16xf32>
      %bitcast3A_1149 = vector.bitcast %mul3A_877 : vector<16xf32> to vector<16xi32>
      %shift_right_arithmetic3A_1150 = arith.constant 23 : i32
      %shift_right_arithmetic3A_1151 = vector.broadcast %shift_right_arithmetic3A_1150 : i32 to vector<16xi32>
      %shift_right_arithmetic3A_1152 = arith.shrsi %bitcast3A_1149, %shift_right_arithmetic3A_1151 : vector<16xi32>
      %sub3A_1153 = arith.constant 127 : i32
      %sub3A_1154 = vector.broadcast %sub3A_1153 : i32 to vector<16xi32>
      %sub3A_1155 = arith.subi %shift_right_arithmetic3A_1152, %sub3A_1154 : vector<16xi32>
      %and3A_1156 = arith.constant 8388607 : i32
      %and3A_1157 = vector.broadcast %and3A_1156 : i32 to vector<16xi32>
      %and3A_1158 = arith.andi %bitcast3A_1149, %and3A_1157 : vector<16xi32>
      %or3A_1159 = arith.constant 1065353216 : i32
      %or3A_1160 = vector.broadcast %or3A_1159 : i32 to vector<16xi32>
      %or3A_1161 = arith.ori %and3A_1158, %or3A_1160 : vector<16xi32>
      %bitcast3A_1162 = vector.bitcast %or3A_1161 : vector<16xi32> to vector<16xf32>
      %sub3A_1163 = arith.constant 1.000000e+00 : f32
      %sub3A_1164 = vector.broadcast %sub3A_1163 : f32 to vector<16xf32>
      %sub3A_1165 = arith.subf %bitcast3A_1162, %sub3A_1164 : vector<16xf32>
      %add3A_1166 = arith.constant 1.000000e+00 : f32
      %add3A_1167 = vector.broadcast %add3A_1166 : f32 to vector<16xf32>
      %add3A_1168 = arith.addf %bitcast3A_1162, %add3A_1167 : vector<16xf32>
      %div3A_1169 = arith.divf %sub3A_1165, %add3A_1168 : vector<16xf32>
      %mul3A_1170 = arith.mulf %div3A_1169, %div3A_1169 : vector<16xf32>
      %mul3A_1171 = arith.constant 0.111111112 : f32
      %mul3A_1172 = vector.broadcast %mul3A_1171 : f32 to vector<16xf32>
      %mul3A_1173 = arith.mulf %mul3A_1170, %mul3A_1172 : vector<16xf32>
      %add3A_1174 = arith.constant 0.142857149 : f32
      %add3A_1175 = vector.broadcast %add3A_1174 : f32 to vector<16xf32>
      %add3A_1176 = arith.addf %mul3A_1173, %add3A_1175 : vector<16xf32>
      %mul3A_1177 = arith.mulf %mul3A_1170, %add3A_1176 : vector<16xf32>
      %add3A_1178 = arith.constant 2.000000e-01 : f32
      %add3A_1179 = vector.broadcast %add3A_1178 : f32 to vector<16xf32>
      %add3A_1180 = arith.addf %mul3A_1177, %add3A_1179 : vector<16xf32>
      %mul3A_1181 = arith.mulf %mul3A_1170, %add3A_1180 : vector<16xf32>
      %add3A_1182 = arith.constant 0.333333343 : f32
      %add3A_1183 = vector.broadcast %add3A_1182 : f32 to vector<16xf32>
      %add3A_1184 = arith.addf %mul3A_1181, %add3A_1183 : vector<16xf32>
      %mul3A_1185 = arith.mulf %mul3A_1170, %add3A_1184 : vector<16xf32>
      %add3A_1186 = arith.constant 1.000000e+00 : f32
      %add3A_1187 = vector.broadcast %add3A_1186 : f32 to vector<16xf32>
      %add3A_1188 = arith.addf %mul3A_1185, %add3A_1187 : vector<16xf32>
      %convert_element_type3A_1189 = arith.sitofp %sub3A_1155 : vector<16xi32> to vector<16xf32>
      %mul3A_1190 = arith.constant 0.693147182 : f32
      %mul3A_1191 = vector.broadcast %mul3A_1190 : f32 to vector<16xf32>
      %mul3A_1192 = arith.mulf %convert_element_type3A_1189, %mul3A_1191 : vector<16xf32>
      %mul3A_1193 = arith.constant 2.000000e+00 : f32
      %mul3A_1194 = vector.broadcast %mul3A_1193 : f32 to vector<16xf32>
      %mul3A_1195 = arith.mulf %mul3A_1194, %div3A_1169 : vector<16xf32>
      %mul3A_1196 = arith.mulf %mul3A_1195, %add3A_1188 : vector<16xf32>
      %add3A_1197 = arith.addf %mul3A_1192, %mul3A_1196 : vector<16xf32>
      %add3A_1198 = arith.addf %scan3A_126, %add3A_1197 : vector<16xf32>
      %bitcast3A_1199 = vector.bitcast %mul3A_888 : vector<16xf32> to vector<16xi32>
      %shift_right_arithmetic3A_1200 = arith.constant 23 : i32
      %shift_right_arithmetic3A_1201 = vector.broadcast %shift_right_arithmetic3A_1200 : i32 to vector<16xi32>
      %shift_right_arithmetic3A_1202 = arith.shrsi %bitcast3A_1199, %shift_right_arithmetic3A_1201 : vector<16xi32>
      %sub3A_1203 = arith.constant 127 : i32
      %sub3A_1204 = vector.broadcast %sub3A_1203 : i32 to vector<16xi32>
      %sub3A_1205 = arith.subi %shift_right_arithmetic3A_1202, %sub3A_1204 : vector<16xi32>
      %and3A_1206 = arith.constant 8388607 : i32
      %and3A_1207 = vector.broadcast %and3A_1206 : i32 to vector<16xi32>
      %and3A_1208 = arith.andi %bitcast3A_1199, %and3A_1207 : vector<16xi32>
      %or3A_1209 = arith.constant 1065353216 : i32
      %or3A_1210 = vector.broadcast %or3A_1209 : i32 to vector<16xi32>
      %or3A_1211 = arith.ori %and3A_1208, %or3A_1210 : vector<16xi32>
      %bitcast3A_1212 = vector.bitcast %or3A_1211 : vector<16xi32> to vector<16xf32>
      %sub3A_1213 = arith.constant 1.000000e+00 : f32
      %sub3A_1214 = vector.broadcast %sub3A_1213 : f32 to vector<16xf32>
      %sub3A_1215 = arith.subf %bitcast3A_1212, %sub3A_1214 : vector<16xf32>
      %add3A_1216 = arith.constant 1.000000e+00 : f32
      %add3A_1217 = vector.broadcast %add3A_1216 : f32 to vector<16xf32>
      %add3A_1218 = arith.addf %bitcast3A_1212, %add3A_1217 : vector<16xf32>
      %div3A_1219 = arith.divf %sub3A_1215, %add3A_1218 : vector<16xf32>
      %mul3A_1220 = arith.mulf %div3A_1219, %div3A_1219 : vector<16xf32>
      %mul3A_1221 = arith.constant 0.111111112 : f32
      %mul3A_1222 = vector.broadcast %mul3A_1221 : f32 to vector<16xf32>
      %mul3A_1223 = arith.mulf %mul3A_1220, %mul3A_1222 : vector<16xf32>
      %add3A_1224 = arith.constant 0.142857149 : f32
      %add3A_1225 = vector.broadcast %add3A_1224 : f32 to vector<16xf32>
      %add3A_1226 = arith.addf %mul3A_1223, %add3A_1225 : vector<16xf32>
      %mul3A_1227 = arith.mulf %mul3A_1220, %add3A_1226 : vector<16xf32>
      %add3A_1228 = arith.constant 2.000000e-01 : f32
      %add3A_1229 = vector.broadcast %add3A_1228 : f32 to vector<16xf32>
      %add3A_1230 = arith.addf %mul3A_1227, %add3A_1229 : vector<16xf32>
      %mul3A_1231 = arith.mulf %mul3A_1220, %add3A_1230 : vector<16xf32>
      %add3A_1232 = arith.constant 0.333333343 : f32
      %add3A_1233 = vector.broadcast %add3A_1232 : f32 to vector<16xf32>
      %add3A_1234 = arith.addf %mul3A_1231, %add3A_1233 : vector<16xf32>
      %mul3A_1235 = arith.mulf %mul3A_1220, %add3A_1234 : vector<16xf32>
      %add3A_1236 = arith.constant 1.000000e+00 : f32
      %add3A_1237 = vector.broadcast %add3A_1236 : f32 to vector<16xf32>
      %add3A_1238 = arith.addf %mul3A_1235, %add3A_1237 : vector<16xf32>
      %convert_element_type3A_1239 = arith.sitofp %sub3A_1205 : vector<16xi32> to vector<16xf32>
      %mul3A_1240 = arith.constant 0.693147182 : f32
      %mul3A_1241 = vector.broadcast %mul3A_1240 : f32 to vector<16xf32>
      %mul3A_1242 = arith.mulf %convert_element_type3A_1239, %mul3A_1241 : vector<16xf32>
      %mul3A_1243 = arith.constant 2.000000e+00 : f32
      %mul3A_1244 = vector.broadcast %mul3A_1243 : f32 to vector<16xf32>
      %mul3A_1245 = arith.mulf %mul3A_1244, %div3A_1219 : vector<16xf32>
      %mul3A_1246 = arith.mulf %mul3A_1245, %add3A_1238 : vector<16xf32>
      %add3A_1247 = arith.addf %mul3A_1242, %mul3A_1246 : vector<16xf32>
      %add3A_1248 = arith.addf %scan3A_127, %add3A_1247 : vector<16xf32>
      %bitcast3A_1249 = vector.bitcast %mul3A_899 : vector<16xf32> to vector<16xi32>
      %shift_right_arithmetic3A_1250 = arith.constant 23 : i32
      %shift_right_arithmetic3A_1251 = vector.broadcast %shift_right_arithmetic3A_1250 : i32 to vector<16xi32>
      %shift_right_arithmetic3A_1252 = arith.shrsi %bitcast3A_1249, %shift_right_arithmetic3A_1251 : vector<16xi32>
      %sub3A_1253 = arith.constant 127 : i32
      %sub3A_1254 = vector.broadcast %sub3A_1253 : i32 to vector<16xi32>
      %sub3A_1255 = arith.subi %shift_right_arithmetic3A_1252, %sub3A_1254 : vector<16xi32>
      %and3A_1256 = arith.constant 8388607 : i32
      %and3A_1257 = vector.broadcast %and3A_1256 : i32 to vector<16xi32>
      %and3A_1258 = arith.andi %bitcast3A_1249, %and3A_1257 : vector<16xi32>
      %or3A_1259 = arith.constant 1065353216 : i32
      %or3A_1260 = vector.broadcast %or3A_1259 : i32 to vector<16xi32>
      %or3A_1261 = arith.ori %and3A_1258, %or3A_1260 : vector<16xi32>
      %bitcast3A_1262 = vector.bitcast %or3A_1261 : vector<16xi32> to vector<16xf32>
      %sub3A_1263 = arith.constant 1.000000e+00 : f32
      %sub3A_1264 = vector.broadcast %sub3A_1263 : f32 to vector<16xf32>
      %sub3A_1265 = arith.subf %bitcast3A_1262, %sub3A_1264 : vector<16xf32>
      %add3A_1266 = arith.constant 1.000000e+00 : f32
      %add3A_1267 = vector.broadcast %add3A_1266 : f32 to vector<16xf32>
      %add3A_1268 = arith.addf %bitcast3A_1262, %add3A_1267 : vector<16xf32>
      %div3A_1269 = arith.divf %sub3A_1265, %add3A_1268 : vector<16xf32>
      %mul3A_1270 = arith.mulf %div3A_1269, %div3A_1269 : vector<16xf32>
      %mul3A_1271 = arith.constant 0.111111112 : f32
      %mul3A_1272 = vector.broadcast %mul3A_1271 : f32 to vector<16xf32>
      %mul3A_1273 = arith.mulf %mul3A_1270, %mul3A_1272 : vector<16xf32>
      %add3A_1274 = arith.constant 0.142857149 : f32
      %add3A_1275 = vector.broadcast %add3A_1274 : f32 to vector<16xf32>
      %add3A_1276 = arith.addf %mul3A_1273, %add3A_1275 : vector<16xf32>
      %mul3A_1277 = arith.mulf %mul3A_1270, %add3A_1276 : vector<16xf32>
      %add3A_1278 = arith.constant 2.000000e-01 : f32
      %add3A_1279 = vector.broadcast %add3A_1278 : f32 to vector<16xf32>
      %add3A_1280 = arith.addf %mul3A_1277, %add3A_1279 : vector<16xf32>
      %mul3A_1281 = arith.mulf %mul3A_1270, %add3A_1280 : vector<16xf32>
      %add3A_1282 = arith.constant 0.333333343 : f32
      %add3A_1283 = vector.broadcast %add3A_1282 : f32 to vector<16xf32>
      %add3A_1284 = arith.addf %mul3A_1281, %add3A_1283 : vector<16xf32>
      %mul3A_1285 = arith.mulf %mul3A_1270, %add3A_1284 : vector<16xf32>
      %add3A_1286 = arith.constant 1.000000e+00 : f32
      %add3A_1287 = vector.broadcast %add3A_1286 : f32 to vector<16xf32>
      %add3A_1288 = arith.addf %mul3A_1285, %add3A_1287 : vector<16xf32>
      %convert_element_type3A_1289 = arith.sitofp %sub3A_1255 : vector<16xi32> to vector<16xf32>
      %mul3A_1290 = arith.constant 0.693147182 : f32
      %mul3A_1291 = vector.broadcast %mul3A_1290 : f32 to vector<16xf32>
      %mul3A_1292 = arith.mulf %convert_element_type3A_1289, %mul3A_1291 : vector<16xf32>
      %mul3A_1293 = arith.constant 2.000000e+00 : f32
      %mul3A_1294 = vector.broadcast %mul3A_1293 : f32 to vector<16xf32>
      %mul3A_1295 = arith.mulf %mul3A_1294, %div3A_1269 : vector<16xf32>
      %mul3A_1296 = arith.mulf %mul3A_1295, %add3A_1288 : vector<16xf32>
      %add3A_1297 = arith.addf %mul3A_1292, %mul3A_1296 : vector<16xf32>
      %add3A_1298 = arith.addf %scan3A_128, %add3A_1297 : vector<16xf32>
      scf.yield %add3A_948, %add3A_998, %add3A_1048, %add3A_1098, %add3A_1148, %add3A_1198, %add3A_1248, %add3A_1298, %add3A_905 : vector<16xf32>, vector<16xf32>, vector<16xf32>, vector<16xf32>, vector<16xf32>, vector<16xf32>, vector<16xf32>, vector<16xf32>, vector<16xf32>
    }
    %scan3A_14 = arith.constant 4 : i32
    %eq3A = arith.constant 0 : i32
    %eq3A_15 = vector.broadcast %eq3A : i32 to vector<16xi32>
    %eq3A_16 = arith.cmpi eq, %iota3A, %eq3A_15 : vector<16xi32>
    %reduce_sum3A = arith.constant true
    %reduce_sum3A_17 = vector.broadcast %reduce_sum3A : i1 to vector<16xi1>
    %reduce_sum3A_18 = tpu.scan <sum>, %scan3A_13#0 masked %reduce_sum3A_17 : vector<16xf32>, vector<16xi1> -> vector<16xf32>
    %reduce_sum3A_19 = vector.extract %reduce_sum3A_18[15] : f32 from vector<16xf32>
    %jit3A = arith.constant 0.000000e+00 : f32
    %broadcast_in_dim3A_20 = vector.broadcast %reduce_sum3A_19 : f32 to vector<16xf32>
    %broadcast_in_dim3A_21 = vector.broadcast %jit3A : f32 to vector<16xf32>
    %select_n3A = arith.select %eq3A_16, %broadcast_in_dim3A_20, %broadcast_in_dim3A_21 : vector<16xi1>, vector<16xf32>
    %add3A_22 = arith.addf %broadcast_in_dim3A_9, %select_n3A : vector<16xf32>
    %eq3A_23 = arith.constant 1 : i32
    %eq3A_24 = vector.broadcast %eq3A_23 : i32 to vector<16xi32>
    %eq3A_25 = arith.cmpi eq, %iota3A, %eq3A_24 : vector<16xi32>
    %reduce_sum3A_26 = arith.constant true
    %reduce_sum3A_27 = vector.broadcast %reduce_sum3A_26 : i1 to vector<16xi1>
    %reduce_sum3A_28 = tpu.scan <sum>, %scan3A_13#1 masked %reduce_sum3A_27 : vector<16xf32>, vector<16xi1> -> vector<16xf32>
    %reduce_sum3A_29 = vector.extract %reduce_sum3A_28[15] : f32 from vector<16xf32>
    %jit3A_30 = arith.constant 0.000000e+00 : f32
    %broadcast_in_dim3A_31 = vector.broadcast %reduce_sum3A_29 : f32 to vector<16xf32>
    %broadcast_in_dim3A_32 = vector.broadcast %jit3A_30 : f32 to vector<16xf32>
    %select_n3A_33 = arith.select %eq3A_25, %broadcast_in_dim3A_31, %broadcast_in_dim3A_32 : vector<16xi1>, vector<16xf32>
    %add3A_34 = arith.addf %add3A_22, %select_n3A_33 : vector<16xf32>
    %eq3A_35 = arith.constant 2 : i32
    %eq3A_36 = vector.broadcast %eq3A_35 : i32 to vector<16xi32>
    %eq3A_37 = arith.cmpi eq, %iota3A, %eq3A_36 : vector<16xi32>
    %reduce_sum3A_38 = arith.constant true
    %reduce_sum3A_39 = vector.broadcast %reduce_sum3A_38 : i1 to vector<16xi1>
    %reduce_sum3A_40 = tpu.scan <sum>, %scan3A_13#2 masked %reduce_sum3A_39 : vector<16xf32>, vector<16xi1> -> vector<16xf32>
    %reduce_sum3A_41 = vector.extract %reduce_sum3A_40[15] : f32 from vector<16xf32>
    %jit3A_42 = arith.constant 0.000000e+00 : f32
    %broadcast_in_dim3A_43 = vector.broadcast %reduce_sum3A_41 : f32 to vector<16xf32>
    %broadcast_in_dim3A_44 = vector.broadcast %jit3A_42 : f32 to vector<16xf32>
    %select_n3A_45 = arith.select %eq3A_37, %broadcast_in_dim3A_43, %broadcast_in_dim3A_44 : vector<16xi1>, vector<16xf32>
    %add3A_46 = arith.addf %add3A_34, %select_n3A_45 : vector<16xf32>
    %eq3A_47 = arith.constant 3 : i32
    %eq3A_48 = vector.broadcast %eq3A_47 : i32 to vector<16xi32>
    %eq3A_49 = arith.cmpi eq, %iota3A, %eq3A_48 : vector<16xi32>
    %reduce_sum3A_50 = arith.constant true
    %reduce_sum3A_51 = vector.broadcast %reduce_sum3A_50 : i1 to vector<16xi1>
    %reduce_sum3A_52 = tpu.scan <sum>, %scan3A_13#3 masked %reduce_sum3A_51 : vector<16xf32>, vector<16xi1> -> vector<16xf32>
    %reduce_sum3A_53 = vector.extract %reduce_sum3A_52[15] : f32 from vector<16xf32>
    %jit3A_54 = arith.constant 0.000000e+00 : f32
    %broadcast_in_dim3A_55 = vector.broadcast %reduce_sum3A_53 : f32 to vector<16xf32>
    %broadcast_in_dim3A_56 = vector.broadcast %jit3A_54 : f32 to vector<16xf32>
    %select_n3A_57 = arith.select %eq3A_49, %broadcast_in_dim3A_55, %broadcast_in_dim3A_56 : vector<16xi1>, vector<16xf32>
    %add3A_58 = arith.addf %add3A_46, %select_n3A_57 : vector<16xf32>
    %eq3A_59 = arith.constant 4 : i32
    %eq3A_60 = vector.broadcast %eq3A_59 : i32 to vector<16xi32>
    %eq3A_61 = arith.cmpi eq, %iota3A, %eq3A_60 : vector<16xi32>
    %reduce_sum3A_62 = arith.constant true
    %reduce_sum3A_63 = vector.broadcast %reduce_sum3A_62 : i1 to vector<16xi1>
    %reduce_sum3A_64 = tpu.scan <sum>, %scan3A_13#4 masked %reduce_sum3A_63 : vector<16xf32>, vector<16xi1> -> vector<16xf32>
    %reduce_sum3A_65 = vector.extract %reduce_sum3A_64[15] : f32 from vector<16xf32>
    %jit3A_66 = arith.constant 0.000000e+00 : f32
    %broadcast_in_dim3A_67 = vector.broadcast %reduce_sum3A_65 : f32 to vector<16xf32>
    %broadcast_in_dim3A_68 = vector.broadcast %jit3A_66 : f32 to vector<16xf32>
    %select_n3A_69 = arith.select %eq3A_61, %broadcast_in_dim3A_67, %broadcast_in_dim3A_68 : vector<16xi1>, vector<16xf32>
    %add3A_70 = arith.addf %add3A_58, %select_n3A_69 : vector<16xf32>
    %eq3A_71 = arith.constant 5 : i32
    %eq3A_72 = vector.broadcast %eq3A_71 : i32 to vector<16xi32>
    %eq3A_73 = arith.cmpi eq, %iota3A, %eq3A_72 : vector<16xi32>
    %reduce_sum3A_74 = arith.constant true
    %reduce_sum3A_75 = vector.broadcast %reduce_sum3A_74 : i1 to vector<16xi1>
    %reduce_sum3A_76 = tpu.scan <sum>, %scan3A_13#5 masked %reduce_sum3A_75 : vector<16xf32>, vector<16xi1> -> vector<16xf32>
    %reduce_sum3A_77 = vector.extract %reduce_sum3A_76[15] : f32 from vector<16xf32>
    %jit3A_78 = arith.constant 0.000000e+00 : f32
    %broadcast_in_dim3A_79 = vector.broadcast %reduce_sum3A_77 : f32 to vector<16xf32>
    %broadcast_in_dim3A_80 = vector.broadcast %jit3A_78 : f32 to vector<16xf32>
    %select_n3A_81 = arith.select %eq3A_73, %broadcast_in_dim3A_79, %broadcast_in_dim3A_80 : vector<16xi1>, vector<16xf32>
    %add3A_82 = arith.addf %add3A_70, %select_n3A_81 : vector<16xf32>
    %eq3A_83 = arith.constant 6 : i32
    %eq3A_84 = vector.broadcast %eq3A_83 : i32 to vector<16xi32>
    %eq3A_85 = arith.cmpi eq, %iota3A, %eq3A_84 : vector<16xi32>
    %reduce_sum3A_86 = arith.constant true
    %reduce_sum3A_87 = vector.broadcast %reduce_sum3A_86 : i1 to vector<16xi1>
    %reduce_sum3A_88 = tpu.scan <sum>, %scan3A_13#6 masked %reduce_sum3A_87 : vector<16xf32>, vector<16xi1> -> vector<16xf32>
    %reduce_sum3A_89 = vector.extract %reduce_sum3A_88[15] : f32 from vector<16xf32>
    %jit3A_90 = arith.constant 0.000000e+00 : f32
    %broadcast_in_dim3A_91 = vector.broadcast %reduce_sum3A_89 : f32 to vector<16xf32>
    %broadcast_in_dim3A_92 = vector.broadcast %jit3A_90 : f32 to vector<16xf32>
    %select_n3A_93 = arith.select %eq3A_85, %broadcast_in_dim3A_91, %broadcast_in_dim3A_92 : vector<16xi1>, vector<16xf32>
    %add3A_94 = arith.addf %add3A_82, %select_n3A_93 : vector<16xf32>
    %eq3A_95 = arith.constant 7 : i32
    %eq3A_96 = vector.broadcast %eq3A_95 : i32 to vector<16xi32>
    %eq3A_97 = arith.cmpi eq, %iota3A, %eq3A_96 : vector<16xi32>
    %reduce_sum3A_98 = arith.constant true
    %reduce_sum3A_99 = vector.broadcast %reduce_sum3A_98 : i1 to vector<16xi1>
    %reduce_sum3A_100 = tpu.scan <sum>, %scan3A_13#7 masked %reduce_sum3A_99 : vector<16xf32>, vector<16xi1> -> vector<16xf32>
    %reduce_sum3A_101 = vector.extract %reduce_sum3A_100[15] : f32 from vector<16xf32>
    %jit3A_102 = arith.constant 0.000000e+00 : f32
    %broadcast_in_dim3A_103 = vector.broadcast %reduce_sum3A_101 : f32 to vector<16xf32>
    %broadcast_in_dim3A_104 = vector.broadcast %jit3A_102 : f32 to vector<16xf32>
    %select_n3A_105 = arith.select %eq3A_97, %broadcast_in_dim3A_103, %broadcast_in_dim3A_104 : vector<16xi1>, vector<16xf32>
    %add3A_106 = arith.addf %add3A_94, %select_n3A_105 : vector<16xf32>
    %eq3A_107 = arith.constant 8 : i32
    %eq3A_108 = vector.broadcast %eq3A_107 : i32 to vector<16xi32>
    %eq3A_109 = arith.cmpi eq, %iota3A, %eq3A_108 : vector<16xi32>
    %reduce_sum3A_110 = arith.constant true
    %reduce_sum3A_111 = vector.broadcast %reduce_sum3A_110 : i1 to vector<16xi1>
    %reduce_sum3A_112 = tpu.scan <sum>, %scan3A_13#8 masked %reduce_sum3A_111 : vector<16xf32>, vector<16xi1> -> vector<16xf32>
    %reduce_sum3A_113 = vector.extract %reduce_sum3A_112[15] : f32 from vector<16xf32>
    %jit3A_114 = arith.constant 0.000000e+00 : f32
    %broadcast_in_dim3A_115 = vector.broadcast %reduce_sum3A_113 : f32 to vector<16xf32>
    %broadcast_in_dim3A_116 = vector.broadcast %jit3A_114 : f32 to vector<16xf32>
    %select_n3A_117 = arith.select %eq3A_109, %broadcast_in_dim3A_115, %broadcast_in_dim3A_116 : vector<16xi1>, vector<16xf32>
    %add3A_118 = arith.addf %add3A_106, %select_n3A_117 : vector<16xf32>
    %swap3A = arith.constant 0 : index
    %swap3A_119 = tpu.vector_load %arg7[%swap3A] {strides = array<i32>} : memref<16xf32, #tpu.memory_space<vmem>>, vector<16xf32>,
    tpu.vector_store %arg7[%swap3A], %add3A_118 {strides = array<i32>} : memref<16xf32, #tpu.memory_space<vmem>>, vector<16xf32>,
    "tpu.region"() ({
      %run_scoped3A = tpu.sem_alloc : memref<!tpu.dma_semaphore, #tpu.memory_space<semaphore_mem>>
      %dma_start3A_120 = arith.constant 0 : i32
      %dma_start3A_121 = tpu.memref_slice %arg4[%add3A, %dma_start3A_120] : memref<32x16xf32, #tpu.memory_space<hbm>> -> memref<1x16xf32, #tpu.memory_space<hbm>>
      %dma_start3A_122 = tpu.memref_squeeze %dma_start3A_121 : memref<1x16xf32, #tpu.memory_space<hbm>> -> memref<16xf32, #tpu.memory_space<hbm>>
      %dma_start3A_123 = arith.constant 0 : i32
      %dma_start3A_124 = tpu.memref_slice %arg4[%add3A, %dma_start3A_123] : memref<32x16xf32, #tpu.memory_space<hbm>> -> memref<1x16xf32, #tpu.memory_space<hbm>>
      %dma_start3A_125 = tpu.memref_squeeze %dma_start3A_124 : memref<1x16xf32, #tpu.memory_space<hbm>> -> memref<16xf32, #tpu.memory_space<hbm>>
      tpu.enqueue_dma source(%arg7 : memref<16xf32, #tpu.memory_space<vmem>>) target(%dma_start3A_125 : memref<16xf32, #tpu.memory_space<hbm>>) target_semaphore(%run_scoped3A : memref<!tpu.dma_semaphore, #tpu.memory_space<semaphore_mem>>)
      %dma_wait3A_126 = arith.constant 0 : i32
      %dma_wait3A_127 = tpu.memref_slice %arg4[%add3A, %dma_wait3A_126] : memref<32x16xf32, #tpu.memory_space<hbm>> -> memref<1x16xf32, #tpu.memory_space<hbm>>
      %dma_wait3A_128 = tpu.memref_squeeze %dma_wait3A_127 : memref<1x16xf32, #tpu.memory_space<hbm>> -> memref<16xf32, #tpu.memory_space<hbm>>
      %dma_wait3A_129 = arith.constant 0 : i32
      %dma_wait3A_130 = tpu.memref_slice %arg4[%add3A, %dma_wait3A_129] : memref<32x16xf32, #tpu.memory_space<hbm>> -> memref<1x16xf32, #tpu.memory_space<hbm>>
      %dma_wait3A_131 = tpu.memref_squeeze %dma_wait3A_130 : memref<1x16xf32, #tpu.memory_space<hbm>> -> memref<16xf32, #tpu.memory_space<hbm>>
      tpu.wait_dma2 semaphore(%run_scoped3A : memref<!tpu.dma_semaphore, #tpu.memory_space<semaphore_mem>>) src(%arg7 : memref<16xf32, #tpu.memory_space<vmem>>) dst(%dma_wait3A_131 : memref<16xf32, #tpu.memory_space<hbm>>)
      tpu.yield
    }) : () -> ()
    return
  }
}

module attributes {stable_mosaic.version = 14 : i64} {
  func.func @_finalize_body(%arg0: memref<32x16xf32, #tpu.memory_space<vmem>>, %arg1: memref<8xf32, #tpu.memory_space<vmem>>) attributes {dimension_semantics = [], scalar_prefetch = 0 : i64, scratch_operands = 0 : i64, tpu.core_type = #tpu.core_type<tc>} {
    %get3A = arith.constant 0 : index
    %get3A_0 = arith.constant 0 : index
    %get3A_1 = vector.load %arg0[%get3A, %get3A_0] : memref<32x16xf32, #tpu.memory_space<vmem>>, vector<32x16xf32>
    %reduce_sum3A = arith.constant dense<0.000000e+00> : vector<16xf32>
    %reduce_sum3A_2 = vector.multi_reduction <add>, %get3A_1, %reduce_sum3A [0] : vector<32x16xf32> to vector<16xf32>
    %broadcast_in_dim3A = vector.shape_cast %reduce_sum3A_2 : vector<16xf32> to vector<1x16xf32>
    %slice3A = vector.extract_strided_slice %broadcast_in_dim3A {offsets = [0, 8], sizes = [1, 1], strides = [1, 1]} : vector<1x16xf32> to vector<1x1xf32>
    %slice3A_3 = vector.extract_strided_slice %broadcast_in_dim3A {offsets = [0, 0], sizes = [1, 8], strides = [1, 1]} : vector<1x16xf32> to vector<1x8xf32>
    %sub3A = vector.broadcast %slice3A : vector<1x1xf32> to vector<1x8xf32>
    %sub3A_4 = arith.subf %slice3A_3, %sub3A : vector<1x8xf32>
    %mul3A = arith.constant 6.10351563E-5 : f32
    %mul3A_5 = vector.broadcast %mul3A : f32 to vector<1x8xf32>
    %mul3A_6 = arith.mulf %sub3A_4, %mul3A_5 : vector<1x8xf32>
    %iota3A = tpu.iota {dimensions = array<i32: 1>} : vector<1x8xi32>
    %reduce_min3A = arith.constant dense<0x7F800000> : vector<1xf32>
    %reduce_min3A_7 = vector.multi_reduction <minimumf>, %mul3A_6, %reduce_min3A [1] : vector<1x8xf32> to vector<1xf32>
    %broadcast_in_dim3A_8 = vector.shape_cast %reduce_min3A_7 : vector<1xf32> to vector<1x1xf32>
    %eq3A = vector.broadcast %broadcast_in_dim3A_8 : vector<1x1xf32> to vector<1x8xf32>
    %eq3A_9 = arith.cmpf oeq, %mul3A_6, %eq3A : vector<1x8xf32>
    %jit3A = arith.constant 8 : i32
    %broadcast_in_dim3A_10 = vector.broadcast %jit3A : i32 to vector<1x8xi32>
    %select_n3A = arith.select %eq3A_9, %iota3A, %broadcast_in_dim3A_10 : vector<1x8xi1>, vector<1x8xi32>
    %reduce_min3A_11 = arith.constant dense<2147483647> : vector<1xi32>
    %reduce_min3A_12 = vector.multi_reduction <minsi>, %select_n3A, %reduce_min3A_11 [1] : vector<1x8xi32> to vector<1xi32>
    %broadcast_in_dim3A_13 = vector.shape_cast %reduce_min3A_12 : vector<1xi32> to vector<1x1xi32>
    %eq3A_14 = vector.broadcast %broadcast_in_dim3A_13 : vector<1x1xi32> to vector<1x8xi32>
    %eq3A_15 = arith.cmpi eq, %iota3A, %eq3A_14 : vector<1x8xi32>
    %jit3A_16 = arith.constant 0.899999976 : f32
    %jit3A_17 = arith.constant 1.000000e-01 : f32
    %broadcast_in_dim3A_18 = vector.broadcast %jit3A_16 : f32 to vector<1x8xf32>
    %broadcast_in_dim3A_19 = vector.broadcast %jit3A_17 : f32 to vector<1x8xf32>
    %select_n3A_20 = arith.select %eq3A_15, %broadcast_in_dim3A_18, %broadcast_in_dim3A_19 : vector<1x8xi1>, vector<1x8xf32>
    %mul3A_21 = arith.mulf %mul3A_6, %select_n3A_20 : vector<1x8xf32>
    %reshape3A = vector.shape_cast %mul3A_21 : vector<1x8xf32> to vector<8xf32>
    %swap3A = arith.constant 0 : index
    %swap3A_22 = vector.load %arg1[%swap3A] : memref<8xf32, #tpu.memory_space<vmem>>, vector<8xf32>
    tpu.vector_store %arg1[%swap3A], %reshape3A {strides = array<i32>} : memref<8xf32, #tpu.memory_space<vmem>>, vector<8xf32>,
    return
  }
}

</mosaic_0001>

<sc_bundles>
// kernel: kernel.4.cloned.1.call-start
scs
__scs_entry_jumppad:
0x0: {  	(pc) =	sbr.rel $0x88, $3  }
0x1: {  	(tag) =	ssettag $0x0;
	lr =	simm.s32 $0x1  }
0x2: {  	[smem:$0x3F9F] =	sst lr;
	_ =	strace $0xD0000000  }
0x3: {  	_ = 	snop  }
0x4: {  	_ = 	snop  }
0x5: {  	_ = 	snop  }
0x6: {  	_ = 	snop  }
0x7: {  	_ = 	snop  }
__scs_overlays_trampoline_lowered:
0x8: {  	[smem:$0x3FAE] =	sst s0  }
0x9: {  	[smem:$0x3FAF] =	sst s1  }
0xa: {  	[smem:$0x3FB0] =	sst s2  }
0xb: {  	[smem:$0x3FB1] =	sst s3  }
0xc: {  	[smem:$0x3FB2] =	sst s4  }
0xd: {  	[smem:$0x3FB3] =	sst s5  }
0xe: {  	[smem:$0x3FB4] =	sst s6  }
0xf: {  	[smem:$0x3FB5] =	sst s7  }
0x10: {  	[smem:$0x3FB6] =	sst s8  }
0x11: {  	[smem:$0x3FB7] =	sst s9;
	s0 =	simm.s32 @!p0 $0x0  }
0x12: {  	s1 =	sld [smem:$0x3F9D];
	s0 =	simm.s32 @p0 $0x1  }
0x13: {  	[smem:$0x3FB8] =	sst s0;
	s0 =	simm.s32 @!p1 $0x0  }
0x14: {  	s2 =	sld [smem:$0x3F9C];
	s0 =	simm.s32 @p1 $0x1  }
0x15: {  	[smem:$0x3FB9] =	sst s0;
	s0 =	simm.s32 @!p2 $0x0  }
0x16: {  	s3 =	sld [smem:$0x3FDB];
	s0 =	simm.s32 @p2 $0x1  }
0x17: {  	s4 =	simm.s32 $0x1BF5;
	[smem:$0x3FBB] =	sst s0  }
0x18: {  	s0 =	sld [smem:$0x3F9E];
	_ =	swait.ge [sflag:s4], $0x0  }
0x19: {  	s7 =	sld [smem:$0x3F9F]  }
0x1a: {  	s8 =	sadd.s32 $0xFFFFE003, lr  }
0x1b: {  	s9 =	sadd.s32 $0xFFFFFEF7, lr;
	s5 =	simm.s32 $0xFFFFFFFF;
	p2 =	slt.u32 s8, $0xFFFFF086  }
0x1c: {  	p1 =	slt.u32 s9, $0xF7A;
	s5 =	simm.s32 @!p2 $0x0  }
0x1d: {  	s5 =	simm.s32 @p1 $0x1;
	p0 =	seq.s32 s7, s2  }
0x1e: {  	s7 =	smul.u32 @!p0 $0xF7A, s2;
	p2 =	seq.s32 @!p0 s5, $0x0  }
0x1f: {  	s9 =	smul.u32 $0xF7A, s1;
	s8 =	simm.s32 @!p0 $0x1BF5;
	p2 =	por !p2, p0  }
0x20: {  	[sflag:s8] =	ssyncset.s32 @!p0 $0xFFFFF086;
	s6 =	sadd.s32 @!p0 s3, s7;
	s7 =	simm.s32 @!p0 $0x108  }
0x21: {  	s3 =	sadd.s32 s3, s9;
	s6 =	sadd.s32 @!p0 $0x88, s6;
	s7 =	simm.s32 @p2 $0x1082  }
0x22: {  	[simem:s7], [sflag:s8] =	dma.local @!p0 [hbm:s6], $0xF7A  }
0x23: {  	s9 =	sor.u32 $0xD0000000, s2;
	s6 =	simm.s32 $0x108;
	_ =	swait.ge @!p0 [sflag:s8], $0x0  }
0x24: {  	s3 =	sadd.s32 $0x88, s3;
	s6 =	simm.s32 @!p1 $0x1082;
	[sflag:s4] =	ssyncset.s32 $0xFFFFF086  }
0x25: {  	[simem:s6], [sflag:s4] =	dma.local [hbm:s3], $0xF7A  }
0x26: {  	[smem:$0x3F9F] =	sst s1;
	(tag) =	ssettag s2;
	_ =	strace s9  }
0x27: {  	s1 =	sld [smem:$0x3FAF]  }
0x28: {  	s2 =	sld [smem:$0x3FB0]  }
0x29: {  	s4 =	sld [smem:$0x3FB2]  }
0x2a: {  	p0 =	seq.s32 s5, $0x0;
	s5 =	sld [smem:$0x3FB3]  }
0x2b: {  	s6 =	sld [smem:$0x3FB4]  }
0x2c: {  	s7 =	sld [smem:$0x3FB5]  }
0x2d: {  	s3 =	simm.s32 $0x108;
	s8 =	sld [smem:$0x3FB6]  }
0x2e: {  	s3 =	simm.s32 @!p0 $0x1082;
	s9 =	sld [smem:$0x3FB7]  }
0x2f: {  	lr =	sadd.s32 s0, s3;
	s0 =	sld [smem:$0x3FAE]  }
0x30: {  	s3 =	sld [smem:$0x3FB1]  }
0x31: {  	[smem:$0x3FBA] =	sst s10  }
0x32: {  	s10 =	sld [smem:$0x3FB8];
	_ =	sdelay $0x3  }
0x33: {  	p0 =	seq.s32 s10, $0x1;
	s10 =	sld [smem:$0x3FBA];
	_ =	sdelay $0x3  }
0x34: {  	[smem:$0x3FBA] =	sst s10  }
0x35: {  	s10 =	sld [smem:$0x3FB9];
	_ =	sdelay $0x3  }
0x36: {  	p1 =	seq.s32 s10, $0x1;
	s10 =	sld [smem:$0x3FBA];
	_ =	sdelay $0x3  }
0x37: {  	[smem:$0x3FBA] =	sst s10  }
0x38: {  	s10 =	sld [smem:$0x3FBB]  }
0x39: {  	_ = 	snop;
	(pc) =	sbr.ind lr, $3  }
0x3a: {  	_ = 	snop  }
0x3b: {  	_ = 	snop  }
0x3c: {  	p2 =	seq.s32 s10, $0x1;
	s10 =	sld [smem:$0x3FBA]  }
0x3d: {  	_ =	shalt  }
0x3e: {  	_ =	shalt  }
0x3f: {  	_ =	shalt  }
0x40: {  	_ =	shalt  }
0x41: {  	_ =	shalt  }
0x42: {  	_ =	shalt  }
0x43: {  	_ =	shalt  }
0x44: {  	_ =	shalt  }
0x45: {  	_ =	shalt  }
0x46: {  	_ =	shalt  }
0x47: {  	_ =	shalt  }
0x48: {  	_ =	shalt  }
0x49: {  	_ =	shalt  }
0x4a: {  	_ =	shalt  }
0x4b: {  	_ =	shalt  }
0x4c: {  	_ =	shalt  }
0x4d: {  	_ =	shalt  }
0x4e: {  	_ =	shalt  }
0x4f: {  	_ =	shalt  }
0x50: {  	_ =	shalt  }
0x51: {  	_ =	shalt  }
0x52: {  	_ =	shalt  }
0x53: {  	_ =	shalt  }
0x54: {  	_ =	shalt  }
0x55: {  	_ =	shalt  }
0x56: {  	_ =	shalt  }
0x57: {  	_ =	shalt  }
0x58: {  	_ =	shalt  }
0x59: {  	_ =	shalt  }
0x5a: {  	_ =	shalt  }
0x5b: {  	_ =	shalt  }
0x5c: {  	_ =	shalt  }
0x5d: {  	_ =	shalt  }
0x5e: {  	_ =	shalt  }
0x5f: {  	_ =	shalt  }
0x60: {  	_ =	shalt  }
0x61: {  	_ =	shalt  }
0x62: {  	_ =	shalt  }
0x63: {  	_ =	shalt  }
0x64: {  	_ =	shalt  }
0x65: {  	_ =	shalt  }
0x66: {  	_ =	shalt  }
0x67: {  	_ =	shalt  }
0x68: {  	_ =	shalt  }
0x69: {  	_ =	shalt  }
0x6a: {  	_ =	shalt  }
0x6b: {  	_ =	shalt  }
0x6c: {  	_ =	shalt  }
0x6d: {  	_ =	shalt  }
0x6e: {  	_ =	shalt  }
0x6f: {  	_ =	shalt  }
0x70: {  	_ =	shalt  }
0x71: {  	_ =	shalt  }
0x72: {  	_ =	shalt  }
0x73: {  	_ =	shalt  }
0x74: {  	_ =	shalt  }
0x75: {  	_ =	shalt  }
0x76: {  	_ =	shalt  }
0x77: {  	_ =	shalt  }
0x78: {  	_ =	shalt  }
0x79: {  	_ =	shalt  }
0x7a: {  	_ =	shalt  }
0x7b: {  	_ =	shalt  }
0x7c: {  	_ =	shalt  }
0x7d: {  	_ =	shalt  }
0x7e: {  	_ =	shalt  }
0x7f: {  	_ =	shalt  }
0x80: {  	_ =	shalt  }
0x81: {  	_ =	shalt  }
0x82: {  	_ =	shalt  }
0x83: {  	_ =	shalt  }
0x84: {  	_ =	shalt  }
0x85: {  	_ =	shalt  }
0x86: {  	_ =	shalt  }
0x87: {  	_ =	shalt  }
.Lfunc_end0:
.L_simem_size_0:
called_computation_lowered:
.L_overlay_start_0:
0x88: {  	s2 =	sld [smem:$0x3FD9]  }
0x89: {  	s3 =	sld [smem:$0x3FFE];
	_ =	sdelay $0x1  }
0x8a: {  	s1 =	srdreg.scid  }
0x8b: {  	s0 =	sand.u32 $0x1, s1  }
0x8c: {  	s17 =	sshll.u32 s0, $0xA;
	s2 =	sadd.s32 s3, s2  }
0x8d: {  	s2 =	sadd.s32 s2, s17  }
0x8e: {  	[smem:$0x3FC6] =	sst s2  }
0x8f: {  	_ = 	snop  }
0x90: {  	s2 =	sld [smem:$0x3FC8];
	(tm) =	ssettm $0x1  }
0x91: {  	s18 =	sld [smem:$0x3FFB];
	_ =	sdelay $0x3  }
0x92: {  	_ =	strace s18  }
0x93: {  	s3 =	sld [smem:$0x3FFC];
	_ =	sdelay $0x3  }
0x94: {  	_ =	strace s3  }
0x95: {  	s3 =	sld [smem:$0x3FFD];
	_ =	sdelay $0x3  }
0x96: {  	_ =	strace s3  }
0x97: {  	_ =	strace $0x8FFFFFFF  }
0x98: {  	s19 =	sld [smem:$0x3FDB];
	_ =	sdelay $0x1  }
0x99: {  	s4 =	simm.s32 $_scs_section_size  }
0x9a: {  	s5 =	simm.s32 $_size__tile_overlayer_lowered;
	s6 =	simm.s32 $_tile_overlayer_lowered  }
0x9b: {  	s22 =	simm.s32 $0x1BFF;
	s21 =	sshll.u32 s6, $0x1;
	s3 =	sadd.s32 s4, s19  }
0x9c: {  	s7 =	simm.s32 $0x0;
	s20 =	sshll.u32 s5, $0x1;
	s5 =	sadd.s32 s21, s3  }
0x9d: {  	[timem:s7], [sflag:s22] =	dma.local [hbm:s5], s20  }
0x9e: {  	_ =	swait.ge [sflag:s22], s20  }
0x9f: {  	s4 =	ssub.s32 $0x0, s20;
	[sflag:s22] =	ssyncset.done $0x0  }
0xa0: {  	[sflag:s22] =	ssyncadd.s32 s4;
	_ =	sdelay $0x1  }
0xa1: {  	s23 =	simm.s32 $0x1B8B  }
0xa2: {  	_ =	swait.ge [sflag:s23], $0x1  }
0xa3: {  	[sflag:s23] =	ssyncset.done $0x0  }
0xa4: {  	s25 =	simm.s32 $0x1B8E;
	s24 =	sld [smem:$0x3FFE];
	[sflag:s23] =	ssyncadd.s32 $0xFFFFFFFF  }
0xa5: {  	s26 =	simm.s32 $execute0_lowered;
	[smem:$0x3FD2] =	sst s25  }
0xa6: {  	s5 =	sshll.u32 s26, $0x1;
	_ =	strace $0x80000046;
	[dreg:$0x1] =	wrdreg $0xFFFFFFFF  }
0xa7: {  	s28 =	simm.s32 $_size_execute0_lowered;
	s3 =	sadd.s32 s3, s5;
	[dreg:$0x0] =	wrdreg $0x0  }
0xa8: {  	s5 =	sshll.u32 s28, $0x1;
	[dreg:$0x2] =	wrdreg s3  }
0xa9: {  	[dreg:$0x3] =	wrdreg s5  }
0xaa: {  	[dreg:$0x4] =	wrdreg $0xC0  }
0xab: {  	_ =	task [dreg:s7], $0x5FFFF  }
0xac: {  	[dreg:$0x1] =	wrdreg $0xFFFFFFFF  }
0xad: {  	[dreg:$0x0] =	wrdreg $0x60  }
0xae: {  	[dreg:$0x2] =	wrdreg s24  }
0xaf: {  	[dreg:$0x3] =	wrdreg s2  }
0xb0: {  	[dreg:$0x4] =	wrdreg $0x9  }
0xb1: {  	_ =	task.clear_ibuf [dreg:s7], $0x5FFFF;
	_ =	strace $0x90000046  }
0xb2: {  	s29 =	simm.s32 $0x9;
	_ =	strace $0x80000048  }
0xb3: {  	_ =	swait.ge [sflag:s29], $0x1  }
0xb4: {  	[sflag:s29] =	ssyncadd.s32 $0xFFFFFFFF  }
0xb5: {  	_ =	strace $0x90000048  }
0xb6: {  	_ =	sfence  }
0xb7: {  	s30 =	sld [smem:$0x0];
	_ =	sdelay $0x2  }
0xb8: {  	s31 =	sshll.u32 s1, $0xD;
	s1 =	sshrl.u32 s1, $0x2  }
0xb9: {  	s3 =	sand.u32 $0x4000, s31;
	s1 =	sadd.s32 s1, s30  }
0xba: {  	s0 =	sor.u32 s3, s0;
	s1 =	sshll.u32 s1, $0x11  }
0xbb: {  	s0 =	sor.u32 s1, s0  }
0xbc: {  	s0 =	sadd.s32 $0x8F2B, s0  }
0xbd: {  	[sflag:s0] =	ssyncadd.remote.s32 $0x1  }
0xbe: {  	_ =	sfence.sel $0xFFFF  }
0xbf: {  	[dreg:$0x0] =	wrdreg $0xFFFFFFFF;
	(pc) =	sbr.abs _section_cstart, $3  }
0xc0: {  	[dreg:$0x1] =	wrdreg $0xFFFFFFFF  }
0xc1: {  	_ =	task.clear_ibuf [dreg:s7], $0x2FFFF;
	_ =	strace $0x9FFFFFFF  }
0xc2: {  	(tm) =	ssettm $0x7FFFFFFF  }
0xc3: {  	_ =	shalt  }
tec
execute0_lowered:
.L_overlay_start_1:
0x0: {  	(tag) =	ssettag $0x1  }
0x1: {  	s3 =	rddreg [dreg:$0x0]  }
0x2: {  	s4 =	rddreg [dreg:$0x1]  }
0x3: {  	s0 =	rddreg [dreg:$0x2];
	s5 =	srdreg.scid  }
0x4: {  	s1 =	stileid.u32;
	s2 =	simm.s32 $0x0;
	s10 =	simm.s32 $0x10200  }
0x5: {  	s5 =	sand.u32 $0x1, s5;
	s6 =	sshll.u32 s1, $0x1;
	[smem:$0x7FF] =	sst s2  }
0x6: {  	s11 =	simm.s32 $0x0;
	s6 =	sor.u32 s5, s6;
	_ =	strace $0x80000047  }
0x7: {  	s5 =	ssub.s32 $0x2, s5;
	s7 =	sshll.u32 s6, $0xD;
	s8 =	sshll.u32 s6, $0x4  }
0x8: {  	s9 =	sshrl.u32 s5, $0x1;
	s31 =	sshll.u32 s6, $0x6;
	s7 =	sadd.s32 s7, s3  }
0x9: {  	v0 =	vlaneseq.u32;
	vm0 =	vcmask $0x704;
	vm1 =	vcmask $0xB08;
	s8 =	sadd.s32 s8, s3;
	s9 =	ssub.s32 s5, s9;
	s4 =	sadd.s32 s4, s31  }
0xa: {  	vm2 =	vcmask $0xF0C;
	vm3 =	vcmask $0x1310;
	vm4 =	vcmask $0x1714;
	s3 =	sadd.s32 $0x600, s7;
	s5 =	sadd.s32 $0x40600, s8;
	s6 =	smax.u32 s9, $0x1  }
0xb: {  	vm5 =	vcmask $0x1B18;
	vm6 =	vcmask $0x1F1C;
	vm7 =	vcmask $0x2320;
	s7 =	simm.s32 $0x10000;
	s8 =	simm.s32 $0x2;
	s9 =	simm.s32 $0x1  }
.LBB2_1:
0xc: {  	[tilespmem:s2], [sflag:$0x1] =	stream.linear.gather [hbm4b:s3+s2], $0x10000, $0x38;
	[tilespmem:$0x10280] =	vst v63  }
0xd: {  	_ = 	snop  }
0xe: {  	[tilespmem:s7], [sflag:$0x2] =	stream.linear.gather [hbm4b:s4+s2], $0x200, $0x38;
	[tilespmem:$0x10280] =	vst v63  }
0xf: {  	_ =	swait.ge [sflag:s8], $0x200  }
0x10: {  	[sflag:s8] =	ssyncset.done $0x0  }
0x11: {  	[sflag:s8] =	ssyncadd.s32 $0xFFFFFE00  }
0x12: {  	v9 =	vimm.f32 $0.0e+00;
	v1 =	vimm.f32 $0.0e+00;
	v2 =	vimm.f32 $0.0e+00;
	_ =	swait.ge [sflag:s9], $0x10000  }
0x13: {  	v3 =	vimm.f32 $0.0e+00;
	v4 =	vimm.f32 $0.0e+00;
	v5 =	vimm.f32 $0.0e+00;
	[sflag:s9] =	ssyncset.done $0x0  }
0x14: {  	s12 =	simm.s32 $0x70;
	v6 =	vimm.f32 $0.0e+00;
	v7 =	vimm.f32 $0.0e+00;
	v8 =	vimm.f32 $0.0e+00;
	[sflag:s9] =	ssyncadd.s32 $0xFFFF0000  }
.LBB2_2:
0x15: {  	s13 =	sadd.s32 $0xFFFFFF90, s12  }
0x16: {  	v12 =	vor.u32 s13, v0  }
0x17: {  	v13 =	vshll.u32 v12, $0x7  }
0x18: {  	v11 =	vor.u32 $0x1, v13  }
0x19: {  	v14 =	vor.u32 $0x2, v13  }
0x1a: {  	v15 =	vor.u32 $0x3, v13  }
0x1b: {  	v16 =	vor.u32 $0x4, v13  }
0x1c: {  	v17 =	vor.u32 $0x5, v13;
	v10 =	vld.idx.msk [tilespmem:v13+s2+$0x0], $0xffff  }
0x1d: {  	v18 =	vor.u32 $0x6, v13;
	v11 =	vld.idx.msk [tilespmem:v11+s2+$0x0], $0xffff  }
0x1e: {  	v19 =	vor.u32 $0x7, v13;
	v14 =	vld.idx.msk [tilespmem:v14+s2+$0x0], $0xffff  }
0x1f: {  	v20 =	vor.u32 $0x8, v13;
	v15 =	vld.idx.msk [tilespmem:v15+s2+$0x0], $0xffff  }
0x20: {  	v22 =	vor.u32 $0x9, v13;
	v16 =	vld.idx.msk [tilespmem:v16+s2+$0x0], $0xffff  }
0x21: {  	v24 =	vor.u32 $0xA, v13;
	v17 =	vld.idx.msk [tilespmem:v17+s2+$0x0], $0xffff;
	v21 =	vmul.f32 $1.442695020e+00, v10  }
0x22: {  	v62 =	vor.u32 $0xB, v13;
	v63 =	vor.u32 $0xC, v13;
	v18 =	vld.idx.msk [tilespmem:v18+s2+$0x0], $0xffff;
	v23 =	vmul.f32 $1.442695020e+00, v11  }
0x23: {  	v29 =	vor.u32 $0xD, v13;
	v19 =	vld.idx.msk [tilespmem:v19+s2+$0x0], $0xffff;
	v14 =	vmul.f32 $1.442695020e+00, v14;
	(erf) = vpow2.f32 v21  }
0x24: {  	v25 =	vor.u32 $0xE, v13;
	v28 =	vld.idx.msk [tilespmem:v20+s2+$0x0], $0xffff;
	v15 =	vmul.f32 $1.442695020e+00, v15;
	(erf) = vpow2.f32 v23  }
0x25: {  	s25 =	sadd.s32 $0xFFFFFFA0, s12;
	v13 =	vor.u32 $0xF, v13;
	v22 =	vld.idx.msk [tilespmem:v22+s2+$0x0], $0xffff;
	v30 =	vmul.f32 $1.442695020e+00, v16;
	(erf) = vpow2.f32 v14  }
0x26: {  	v24 =	vld.idx.msk [tilespmem:v24+s2+$0x0], $0xffff;
	v17 =	vmul.f32 $1.442695020e+00, v17;
	v16 =	vor.u32 s25, v0;
	(erf) = vpow2.f32 v15  }
0x27: {  	v32 =	vld.idx.msk [tilespmem:v62+s2+$0x0], $0xffff;
	v31 =	vmul.f32 $1.442695020e+00, v18;
	v21 =	vshll.u32 v16, $0x7;
	(erf) = vpow2.f32 v30  }
0x28: {  	v34 =	vld.idx.msk [tilespmem:v63+s2+$0x0], $0xffff;
	v33 =	vmul.f32 $1.442695020e+00, v19;
	(erf) = vpow2.f32 v17  }
0x29: {  	v35 =	vld.idx.msk [tilespmem:v29+s2+$0x0], $0xffff;
	v36 =	vor.u32 $0x1, v21;
	v14 =	vmul.f32 $1.442695020e+00, v28;
	(erf) = vpow2.f32 v31  }
0x2a: {  	v38 =	vld.idx.msk [tilespmem:v25+s2+$0x0], $0xffff;
	v37 =	vmul.f32 $1.442695020e+00, v22;
	(erf) = vpow2.f32 v33  }
0x2b: {  	v40 =	vld.idx.msk [tilespmem:v13+s2+$0x0], $0xffff;
	v39 =	vmul.f32 $1.442695020e+00, v24;
	v41 =	vor.u32 $0x2, v21;
	(erf) = vpow2.f32 v14  }
0x2c: {  	v43 =	vmul.f32 $1.442695020e+00, v32;
	v13 =	vld.idx.msk [tilespmem:v21+s2+$0x0], $0xffff;
	v42 =	vpop (erf);
	(erf) = vpow2.f32 v37  }
0x2d: {  	v45 =	vmul.f32 $1.442695020e+00, v34;
	v46 =	vor.u32 $0x3, v21;
	v44 =	vpop (erf);
	(erf) = vpow2.f32 v39  }
0x2e: {  	v47 =	vmul.f32 $1.442695020e+00, v35;
	v15 =	vld.idx.msk [tilespmem:v36+s2+$0x0], $0xffff;
	v26 =	vpop (erf);
	(erf) = vpow2.f32 v43  }
0x2f: {  	v49 =	vmul.f32 $1.442695020e+00, v38;
	v50 =	vor.u32 $0x4, v21;
	v48 =	vpop (erf);
	(erf) = vpow2.f32 v45  }
0x30: {  	v51 =	vmul.f32 $1.442695020e+00, v40;
	v52 =	vld.idx.msk [tilespmem:v41+s2+$0x0], $0xffff;
	v27 =	vpop (erf);
	(erf) = vpow2.f32 v47  }
0x31: {  	v28 =	vor.u32 $0x5, v21;
	v54 =	vmul.f32 $1.442695020e+00, v13;
	v53 =	vpop (erf);
	(erf) = vpow2.f32 v49  }
0x32: {  	v30 =	vor.u32 $0x6, v21;
	v55 =	vld.idx.msk [tilespmem:v46+s2+$0x0], $0xffff;
	v29 =	vpop (erf);
	(erf) = vpow2.f32 v51  }
0x33: {  	v56 =	vmul.f32 $1.442695020e+00, v15;
	v19 =	vpop (erf);
	(erf) = vpow2.f32 v54  }
0x34: {  	v58 =	vor.u32 $0x7, v21;
	v22 =	vld.idx.msk [tilespmem:v50+s2+$0x0], $0xffff;
	v31 =	vpop (erf)  }
0x35: {  	v57 =	vmul.f32 $1.442695020e+00, v52;
	v32 =	vpop (erf);
	(erf) = vpow2.f32 v56  }
0x36: {  	v60 =	vor.u32 $0x8, v21;
	v28 =	vld.idx.msk [tilespmem:v28+s2+$0x0], $0xffff;
	v33 =	vpop (erf)  }
0x37: {  	v61 =	vld.idx.msk [tilespmem:v30+s2+$0x0], $0xffff;
	v25 =	vadd.f32 $0.0e+00, v42;
	v59 =	vmul.f32 $1.442695020e+00, v55;
	v34 =	vpop (erf);
	(erf) = vpow2.f32 v57  }
0x38: {  	v63 =	vor.u32 $0x9, v21;
	v35 =	vpop (erf)  }
0x39: {  	v23 =	vld.idx.msk [tilespmem:v58+s2+$0x0], $0xffff;
	v62 =	vmul.f32 $1.442695020e+00, v22;
	v25 =	vadd.f32 v44, v25;
	v30 =	vpop (erf);
	(erf) = vpow2.f32 v59  }
0x3a: {  	v41 =	vor.u32 $0xA, v21;
	v36 =	vpop (erf)  }
0x3b: {  	v17 =	vld.idx.msk [tilespmem:v60+s2+$0x0], $0xffff;
	v39 =	vmul.f32 $1.442695020e+00, v28;
	v26 =	vadd.f32 v26, v25;
	(erf) = vpow2.f32 v62;
	v37 =	vpop (erf)  }
0x3c: {  	v38 =	vor.u32 $0xB, v21;
	v42 =	vmul.f32 $1.442695020e+00, v61;
	v40 =	vpop (erf)  }
0x3d: {  	v22 =	vld.idx.msk [tilespmem:v63+s2+$0x0], $0xffff;
	v26 =	vadd.f32 v48, v26;
	(erf) = vpow2.f32 v39;
	v20 =	vadd.f32 $0.0e+00, v40  }
0x3e: {  	v45 =	vmul.f32 $1.442695020e+00, v23;
	v47 =	vor.u32 $0xC, v21;
	v44 =	vpop (erf)  }
0x3f: {  	v49 =	vld.idx.msk [tilespmem:v41+s2+$0x0], $0xffff;
	v43 =	vadd.f32 v27, v26;
	(erf) = vpow2.f32 v42;
	v27 =	vadd.f32 v44, v20  }
0x40: {  	v51 =	vor.u32 $0xD, v21;
	v48 =	vmul.f32 $1.442695020e+00, v17;
	v46 =	vpop (erf)  }
0x41: {  	v23 =	vadd.f32 v53, v43;
	v53 =	vld.idx.msk [tilespmem:v38+s2+$0x0], $0xffff;
	(erf) = vpow2.f32 v45;
	v18 =	vadd.f32 v46, v27  }
0x42: {  	v55 =	vor.u32 $0xE, v21;
	v52 =	vmul.f32 $1.442695020e+00, v22;
	v50 =	vpop (erf)  }
0x43: {  	v24 =	vadd.f32 v29, v23;
	(erf) = vpow2.f32 v48;
	v28 =	vadd.f32 v50, v18  }
0x44: {  	v21 =	vor.u32 $0xF, v21;
	v17 =	vmul.f32 $1.442695020e+00, v49;
	v57 =	vld.idx.msk [tilespmem:v47+s2+$0x0], $0xffff;
	v54 =	vpop (erf)  }
0x45: {  	v24 =	vadd.f32 v19, v24;
	(erf) = vpow2.f32 v52;
	v56 =	vadd.f32 v54, v28  }
0x46: {  	v60 =	vld.idx.msk [tilespmem:v51+s2+$0x0], $0xffff;
	v62 =	vmul.f32 $1.442695020e+00, v53;
	v58 =	vpop (erf)  }
0x47: {  	v59 =	vadd.f32 v31, v24;
	(erf) = vpow2.f32 v17;
	v31 =	vadd.f32 v58, v56  }
0x48: {  	v63 =	vld.idx.msk [tilespmem:v55+s2+$0x0], $0xffff;
	v61 =	vpop (erf)  }
0x49: {  	v43 =	vld.idx.msk [tilespmem:v21+s2+$0x0], $0xffff;
	v14 =	vmul.f32 $1.442695020e+00, v57;
	(erf) = vpow2.f32 v62;
	v20 =	vadd.f32 v61, v31  }
0x4a: {  	v22 =	vadd.f32 v32, v59;
	v40 =	vpop (erf)  }
0x4b: {  	v12 =	vld.idx.msk [tilespmem:v12+s7+$0x0], $0xffff;
	v45 =	vmul.f32 $1.442695020e+00, v60;
	(erf) = vpow2.f32 v14;
	v42 =	vadd.f32 v40, v20  }
0x4c: {  	v41 =	vadd.f32 v33, v22;
	v44 =	vpop (erf)  }
0x4d: {  	s26 =	sadd.s32 $0xFFFFFFB0, s12;
	v48 =	vmul.f32 $1.442695020e+00, v63;
	(erf) = vpow2.f32 v45;
	v46 =	vadd.f32 v44, v42  }
0x4e: {  	v18 =	vor.u32 s26, v0;
	v34 =	vadd.f32 v34, v41;
	v50 =	vmul.f32 $1.442695020e+00, v43;
	v47 =	vpop (erf)  }
0x4f: {  	v32 =	vshll.u32 v18, $0x7;
	(erf) = vpow2.f32 v48;
	v21 =	vadd.f32 v47, v46  }
0x50: {  	vm8 =	veq.s32 v12, $0x0;
	v51 =	vor.u32 $0x1, v32;
	v52 =	vpop (erf)  }
0x51: {  	v49 =	vadd.f32 v35, v34;
	(erf) = vpow2.f32 v50;
	v20 =	vadd.f32 v52, v21  }
0x52: {  	v10 =	vsel vm8, v10, v11;
	v57 =	vor.u32 $0x3, v32;
	v56 =	vor.u32 $0x2, v32;
	v54 =	vpop (erf)  }
0x53: {  	v16 =	vld.idx.msk [tilespmem:v16+s7+$0x0], $0xffff;
	v59 =	vor.u32 $0x4, v32;
	v29 =	vadd.f32 v30, v49;
	v30 =	vadd.f32 v54, v20  }
0x54: {  	v35 =	vmul.f32 v27, v25;
	v28 =	vmul.f32 v28, v26;
	v60 =	vor.u32 $0x6, v32;
	v17 =	vld.idx.msk [tilespmem:v32+s2+$0x0], $0xffff;
	v58 =	vpop (erf)  }
0x55: {  	v63 =	vor.u32 $0x7, v32;
	v41 =	vor.u32 $0x8, v32;
	v19 =	vld.idx.msk [tilespmem:v51+s2+$0x0], $0xffff;
	v11 =	vadd.f32 v58, v30  }
0x56: {  	v43 =	vor.u32 $0x9, v32;
	v18 =	vld.idx.msk [tilespmem:v18+s7+$0x0], $0xffff;
	v20 =	vadd.f32 v10, v9;
	v9 =	vpop (erf);
	v10 =	vor.u32 $0x5, v32  }
0x57: {  	v45 =	vor.u32 $0xB, v32;
	v50 =	vor.u32 $0xD, v32;
	v9 =	vadd.f32 v9, v11;
	v11 =	vld.idx.msk [tilespmem:v56+s2+$0x0], $0xffff  }
0x58: {  	v49 =	vor.u32 $0xC, v32;
	v53 =	vadd.f32 v36, v29;
	v62 =	vld.idx.msk [tilespmem:v57+s2+$0x0], $0xffff;
	v44 =	vor.u32 $0xA, v32;
	v61 =	vpop (erf)  }
0x59: {  	v27 =	vmul.f32 v31, v23;
	v12 =	vld.idx.msk [tilespmem:v59+s2+$0x0], $0xffff;
	v55 =	vmul.f32 $1.442695020e+00, v17;
	v23 =	vadd.f32 v61, v9  }
0x5a: {  	v48 =	vld.idx.msk [tilespmem:v63+s2+$0x0], $0xffff;
	v14 =	vadd.f32 v37, v53;
	v25 =	vmul.f32 v42, v24;
	v40 =	vmul.f32 $1.442695020e+00, v19;
	v42 =	vpop (erf)  }
0x5b: {  	(erf) = vpow2.f32 v55;
	v26 =	vmul.f32 v21, v22;
	v10 =	vld.idx.msk [tilespmem:v10+s2+$0x0], $0xffff;
	v21 =	vadd.f32 v42, v23  }
0x5c: {  	s28 =	sadd.s32 $0xFFFFFFC0, s12;
	v51 =	vor.u32 $0xE, v32;
	v23 =	vmul.f32 v9, v29;
	v9 =	vmul.f32 $1.442695020e+00, v11;
	v11 =	vld.idx.msk [tilespmem:v60+s2+$0x0], $0xffff  }
0x5d: {  	v24 =	vmul.f32 v30, v34;
	v34 =	vld.idx.msk [tilespmem:v44+s2+$0x0], $0xffff;
	v22 =	vmul.f32 v21, v14;
	v21 =	vor.u32 s28, v0  }
0x5e: {  	v53 =	vld.idx.msk [tilespmem:v49+s2+$0x0], $0xffff;
	v47 =	vmul.f32 $1.442695020e+00, v62;
	(erf) = vpow2.f32 v40;
	v38 =	vshll.u32 v21, $0x7  }
0x5f: {  	v12 =	vmul.f32 $1.442695020e+00, v12;
	(erf) = vpow2.f32 v9;
	v9 =	vld.idx.msk [tilespmem:v41+s2+$0x0], $0xffff;
	v55 =	vor.u32 $0x2, v38  }
0x60: {  	v30 =	vld.idx.msk [tilespmem:v43+s2+$0x0], $0xffff;
	v10 =	vmul.f32 $1.442695020e+00, v10;
	(erf) = vpow2.f32 v47;
	v59 =	vor.u32 $0x4, v38  }
0x61: {  	v57 =	vld.idx.msk [tilespmem:v51+s2+$0x0], $0xffff;
	v60 =	vor.u32 $0x5, v38;
	(erf) = vpow2.f32 v12;
	v11 =	vmul.f32 $1.442695020e+00, v11  }
0x62: {  	v52 =	vld.idx.msk [tilespmem:v45+s2+$0x0], $0xffff;
	v34 =	vmul.f32 $1.442695020e+00, v34;
	v62 =	vor.u32 $0x6, v38;
	(erf) = vpow2.f32 v10  }
0x63: {  	v49 =	vor.u32 $0x7, v38;
	v10 =	vmul.f32 $1.442695020e+00, v48;
	(erf) = vpow2.f32 v11;
	v11 =	vld.idx.msk [tilespmem:v50+s2+$0x0], $0xffff  }
0x64: {  	v32 =	vor.u32 $0xF, v32;
	v29 =	vmul.f32 $1.442695020e+00, v53;
	v9 =	vmul.f32 $1.442695020e+00, v9;
	v61 =	vld.idx.msk [tilespmem:v55+s2+$0x0], $0xffff  }
0x65: {  	vm8 =	veq.s32 v16, $0x0;
	v46 =	vpop (erf);
	(erf) = vpow2.f32 v10;
	v10 =	vmul.f32 $1.442695020e+00, v30;
	v36 =	vld.idx.msk [tilespmem:v59+s2+$0x0], $0xffff  }
0x66: {  	v14 =	vadd.f32 $0.0e+00, v46;
	v54 =	vor.u32 $0x1, v38;
	v31 =	vld.idx.msk [tilespmem:v60+s2+$0x0], $0xffff;
	(erf) = vpow2.f32 v9  }
0x67: {  	v56 =	vpop (erf);
	v41 =	vor.u32 $0x9, v38;
	v12 =	vmul.f32 $1.442695020e+00, v52;
	v33 =	vld.idx.msk [tilespmem:v62+s2+$0x0], $0xffff;
	(erf) = vpow2.f32 v10  }
0x68: {  	v58 =	vor.u32 $0x3, v38;
	v14 =	vadd.f32 v56, v14;
	v37 =	vld.idx.msk [tilespmem:v49+s2+$0x0], $0xffff;
	(erf) = vpow2.f32 v34  }
0x69: {  	v32 =	vld.idx.msk [tilespmem:v32+s2+$0x0], $0xffff;
	v47 =	vmul.f32 $1.442695020e+00, v57;
	v43 =	vor.u32 $0xA, v38;
	(erf) = vpow2.f32 v12  }
0x6a: {  	v13 =	vsel vm8, v13, v15;
	v9 =	vld.idx.msk [tilespmem:v38+s2+$0x0], $0xffff;
	v63 =	vpop (erf);
	v11 =	vmul.f32 $1.442695020e+00, v11;
	(erf) = vpow2.f32 v29  }
0x6b: {  	v45 =	vor.u32 $0xB, v38;
	v10 =	vld.idx.msk [tilespmem:v54+s2+$0x0], $0xffff;
	v12 =	vmul.f32 $1.442695020e+00, v61;
	v29 =	vmul.f32 v14, v35  }
0x6c: {  	vm8 =	veq.s32 v18, $0x0;
	v55 =	vld.idx.msk [tilespmem:v41+s2+$0x0], $0xffff;
	v54 =	vmul.f32 $1.442695020e+00, v36;
	v31 =	vmul.f32 $1.442695020e+00, v31  }
0x6d: {  	v50 =	vor.u32 $0x8, v38;
	v48 =	vld.idx.msk [tilespmem:v58+s2+$0x0], $0xffff;
	v39 =	vpop (erf);
	v33 =	vmul.f32 $1.442695020e+00, v33;
	v57 =	vmul.f32 $1.442695020e+00, v37  }
0x6e: {  	v17 =	vsel vm8, v17, v19;
	v43 =	vld.idx.msk [tilespmem:v43+s2+$0x0], $0xffff;
	v40 =	vpop (erf);
	(erf) = vpow2.f32 v11;
	v11 =	vmul.f32 $1.442695020e+00, v32  }
0x6f: {  	v53 =	vor.u32 $0xD, v38;
	v51 =	vmul.f32 $1.442695020e+00, v9;
	v42 =	vpop (erf);
	(erf) = vpow2.f32 v47  }
0x70: {  	v56 =	vor.u32 $0xE, v38;
	v45 =	vld.idx.msk [tilespmem:v45+s2+$0x0], $0xffff;
	(erf) = vpow2.f32 v11;
	v11 =	vmul.f32 $1.442695020e+00, v10;
	v44 =	vpop (erf)  }
0x71: {  	v60 =	vmul.f32 $1.442695020e+00, v55;
	v47 =	vor.u32 $0xC, v38;
	(erf) = vpow2.f32 v51;
	v46 =	vpop (erf)  }
0x72: {  	v52 =	vld.idx.msk [tilespmem:v50+s2+$0x0], $0xffff;
	v14 =	vadd.f32 v63, v14;
	(erf) = vpow2.f32 v11;
	v11 =	vmul.f32 $1.442695020e+00, v48;
	v35 =	vpop (erf)  }
0x73: {  	s29 =	sadd.s32 $0xFFFFFFD0, s12;
	v62 =	vmul.f32 $1.442695020e+00, v43;
	v38 =	vor.u32 $0xF, v38;
	(erf) = vpow2.f32 v12;
	v48 =	vpop (erf)  }
0x74: {  	v32 =	vld.idx.msk [tilespmem:v53+s2+$0x0], $0xffff;
	v39 =	vadd.f32 v39, v14;
	(erf) = vpow2.f32 v11;
	v49 =	vpop (erf);
	v11 =	vor.u32 s29, v0  }
0x75: {  	v61 =	vld.idx.msk [tilespmem:v56+s2+$0x0], $0xffff;
	v56 =	vmul.f32 $1.442695020e+00, v45;
	v50 =	vpop (erf);
	(erf) = vpow2.f32 v54;
	v30 =	vshll.u32 v11, $0x7  }
0x76: {  	v40 =	vadd.f32 v40, v39;
	v39 =	vmul.f32 v39, v28;
	v58 =	vld.idx.msk [tilespmem:v47+s2+$0x0], $0xffff;
	v34 =	vpop (erf);
	(erf) = vpow2.f32 v31  }
0x77: {  	v12 =	vmul.f32 $1.442695020e+00, v52;
	v59 =	vor.u32 $0x1, v30;
	v47 =	vpop (erf);
	(erf) = vpow2.f32 v33  }
0x78: {  	v40 =	vadd.f32 v42, v40;
	v63 =	vor.u32 $0x2, v30;
	v51 =	vpop (erf);
	(erf) = vpow2.f32 v57  }
0x79: {  	v13 =	vadd.f32 v13, v20;
	v32 =	vmul.f32 $1.442695020e+00, v32;
	v38 =	vld.idx.msk [tilespmem:v38+s2+$0x0], $0xffff;
	v36 =	vpop (erf);
	(erf) = vpow2.f32 v12  }
0x7a: {  	v44 =	vadd.f32 v44, v40;
	v27 =	vmul.f32 v40, v27;
	v52 =	vpop (erf);
	(erf) = vpow2.f32 v60;
	v12 =	vld.idx.msk [tilespmem:v30+s2+$0x0], $0xffff  }
0x7b: {  	v57 =	vor.u32 $0x3, v30;
	v37 =	vmul.f32 $1.442695020e+00, v58;
	v45 =	vpop (erf);
	(erf) = vpow2.f32 v62  }
0x7c: {  	v31 =	vmul.f32 $1.442695020e+00, v61;
	v54 =	vor.u32 $0x5, v30;
	v14 =	vld.idx.msk [tilespmem:v59+s2+$0x0], $0xffff;
	v42 =	vpop (erf);
	(erf) = vpow2.f32 v56  }
0x7d: {  	v44 =	vadd.f32 v46, v44;
	v59 =	vld.idx.msk [tilespmem:v63+s2+$0x0], $0xffff;
	v33 =	vpop (erf);
	(erf) = vpow2.f32 v37;
	v37 =	vor.u32 $0x4, v30  }
0x7e: {  	v58 =	vmul.f32 $1.442695020e+00, v38;
	v61 =	vadd.f32 $0.0e+00, v52;
	v53 =	vpop (erf);
	(erf) = vpow2.f32 v32  }
0x7f: {  	v55 =	vor.u32 $0x6, v30;
	v43 =	vpop (erf);
	(erf) = vpow2.f32 v31;
	v60 =	vmul.f32 $1.442695020e+00, v12  }
0x80: {  	v62 =	vld.idx.msk [tilespmem:v57+s2+$0x0], $0xffff;
	v57 =	vadd.f32 v35, v44;
	v35 =	vadd.f32 v45, v61;
	v52 =	vpop (erf);
	(erf) = vpow2.f32 v58  }
0x81: {  	v21 =	vld.idx.msk [tilespmem:v21+s7+$0x0], $0xffff;
	v38 =	vor.u32 $0x7, v30;
	v63 =	vmul.f32 $1.442695020e+00, v14;
	v41 =	vpop (erf);
	(erf) = vpow2.f32 v60  }
0x82: {  	v28 =	vadd.f32 v48, v57;
	v58 =	vmul.f32 $1.442695020e+00, v59;
	v59 =	vadd.f32 v42, v35;
	v45 =	vpop (erf);
	v37 =	vld.idx.msk [tilespmem:v37+s2+$0x0], $0xffff  }
0x83: {  	v25 =	vmul.f32 v44, v25;
	v56 =	vor.u32 $0xB, v30;
	v46 =	vpop (erf);
	(erf) = vpow2.f32 v63  }
0x84: {  	v29 =	vmul.f32 v35, v29;
	v60 =	vld.idx.msk [tilespmem:v54+s2+$0x0], $0xffff;
	v26 =	vmul.f32 v28, v26;
	v33 =	vadd.f32 v33, v59;
	v42 =	vpop (erf)  }
0x85: {  	v61 =	vmul.f32 $1.442695020e+00, v62;
	v62 =	vor.u32 $0x8, v30;
	v63 =	vld.idx.msk [tilespmem:v55+s2+$0x0], $0xffff;
	(erf) = vpow2.f32 v58;
	v54 =	vpop (erf)  }
0x86: {  	v28 =	vadd.f32 v49, v28;
	v59 =	vor.u32 $0x9, v30;
	v58 =	vadd.f32 v53, v33;
	v40 =	vpop (erf)  }
0x87: {  	vm8 =	veq.s32 v21, $0x0;
	(erf) = vpow2.f32 v61;
	v16 =	vpop (erf);
	v57 =	vmul.f32 $1.442695020e+00, v37  }
0x88: {  	v38 =	vld.idx.msk [tilespmem:v38+s2+$0x0], $0xffff;
	v28 =	vadd.f32 v50, v28;
	v53 =	vor.u32 $0xD, v30;
	v31 =	vadd.f32 v43, v58;
	v49 =	vpop (erf)  }
0x89: {  	v56 =	vld.idx.msk [tilespmem:v56+s2+$0x0], $0xffff;
	v60 =	vmul.f32 $1.442695020e+00, v60;
	v43 =	vor.u32 $0xA, v30;
	v55 =	vpop (erf);
	(erf) = vpow2.f32 v57  }
0x8a: {  	v34 =	vadd.f32 v34, v28;
	v32 =	vld.idx.msk [tilespmem:v62+s2+$0x0], $0xffff;
	v62 =	vmul.f32 $1.442695020e+00, v63;
	v63 =	vadd.f32 v52, v31;
	v61 =	vpop (erf)  }
0x8b: {  	v24 =	vmul.f32 v28, v24;
	v58 =	vld.idx.msk [tilespmem:v59+s2+$0x0], $0xffff;
	(erf) = vpow2.f32 v60;
	v37 =	vadd.f32 $0.0e+00, v61  }
0x8c: {  	v34 =	vadd.f32 v47, v34;
	v41 =	vadd.f32 v41, v63;
	v60 =	vor.u32 $0xC, v30;
	v52 =	vpop (erf)  }
0x8d: {  	v57 =	vmul.f32 $1.442695020e+00, v38;
	(erf) = vpow2.f32 v62;
	v37 =	vadd.f32 v52, v37  }
0x8e: {  	v15 =	vmul.f32 $1.442695020e+00, v56;
	v23 =	vmul.f32 v34, v23;
	v62 =	vld.idx.msk [tilespmem:v43+s2+$0x0], $0xffff;
	v45 =	vadd.f32 v45, v41;
	v59 =	vpop (erf)  }
0x8f: {  	(erf) = vpow2.f32 v57;
	v61 =	vmul.f32 $1.442695020e+00, v32;
	v44 =	vadd.f32 v59, v37  }
0x90: {  	v63 =	vadd.f32 v51, v34;
	v38 =	vmul.f32 $1.442695020e+00, v58;
	v52 =	vpop (erf);
	v34 =	vadd.f32 v46, v45  }
0x91: {  	v58 =	vor.u32 $0xE, v30;
	(erf) = vpow2.f32 v61;
	v59 =	vld.idx.msk [tilespmem:v60+s2+$0x0], $0xffff;
	v43 =	vadd.f32 v52, v44  }
0x92: {  	v28 =	vadd.f32 v36, v63;
	v30 =	vor.u32 $0xF, v30;
	v61 =	vadd.f32 v42, v34;
	v57 =	vpop (erf)  }
0x93: {  	v32 =	vmul.f32 $1.442695020e+00, v62;
	v62 =	vld.idx.msk [tilespmem:v53+s2+$0x0], $0xffff;
	(erf) = vpow2.f32 v38;
	v36 =	vadd.f32 v57, v43  }
0x94: {  	v27 =	vmul.f32 v31, v27;
	v22 =	vmul.f32 v28, v22;
	v42 =	vadd.f32 v54, v61;
	v60 =	vpop (erf)  }
0x95: {  	s30 =	sadd.s32 $0xFFFFFFE0, s12;
	v54 =	vmul.f32 v33, v39;
	(erf) = vpow2.f32 v32;
	v36 =	vadd.f32 v60, v36  }
0x96: {  	v46 =	vld.idx.msk [tilespmem:v58+s2+$0x0], $0xffff;
	v63 =	vpop (erf);
	(erf) = vpow2.f32 v15;
	v48 =	vmul.f32 $1.442695020e+00, v59;
	v15 =	vor.u32 s30, v0  }
0x97: {  	v50 =	vadd.f32 v40, v42;
	v33 =	vshll.u32 v15, $0x7;
	v20 =	vadd.f32 v63, v36  }
0x98: {  	v51 =	vld.idx.msk [tilespmem:v30+s2+$0x0], $0xffff;
	v18 =	vmul.f32 v42, v24;
	v47 =	vpop (erf);
	v53 =	vmul.f32 $1.442695020e+00, v62;
	v40 =	vor.u32 $0x2, v33  }
0x99: {  	(erf) = vpow2.f32 v48;
	v42 =	vor.u32 $0x3, v33;
	v19 =	vadd.f32 v47, v20  }
0x9a: {  	v28 =	vadd.f32 v17, v13;
	v16 =	vadd.f32 v16, v50;
	v52 =	vpop (erf);
	v63 =	vor.u32 $0x1, v33  }
0x9b: {  	v56 =	vmul.f32 $1.442695020e+00, v46;
	(erf) = vpow2.f32 v53;
	v13 =	vadd.f32 v52, v19  }
0x9c: {  	v34 =	vmul.f32 v34, v26;
	v57 =	vadd.f32 v49, v16;
	v49 =	vor.u32 $0x5, v33;
	v58 =	vpop (erf)  }
0x9d: {  	v59 =	vmul.f32 $1.442695020e+00, v51;
	(erf) = vpow2.f32 v56;
	v51 =	vld.idx.msk [tilespmem:v40+s2+$0x0], $0xffff;
	v32 =	vadd.f32 v58, v13  }
0x9e: {  	v26 =	vmul.f32 v43, v54;
	v54 =	vor.u32 $0x7, v33;
	v52 =	vor.u32 $0x6, v33;
	v24 =	vld.idx.msk [tilespmem:v42+s2+$0x0], $0xffff;
	v62 =	vpop (erf)  }
0x9f: {  	v44 =	vmul.f32 v16, v23;
	(erf) = vpow2.f32 v59;
	v16 =	vld.idx.msk [tilespmem:v63+s2+$0x0], $0xffff;
	v30 =	vadd.f32 v62, v32  }
0xa0: {  	v29 =	vmul.f32 v37, v29;
	v60 =	vmul.f32 v41, v25;
	v47 =	vor.u32 $0x4, v33;
	v41 =	vpop (erf);
	v13 =	vld.idx.msk [tilespmem:v33+s2+$0x0], $0xffff  }
0xa1: {  	v23 =	vmul.f32 v36, v27;
	v61 =	vadd.f32 v55, v57;
	v31 =	vld.idx.msk [tilespmem:v49+s2+$0x0], $0xffff;
	v45 =	vadd.f32 v41, v30  }
0xa2: {  	v57 =	vor.u32 $0x8, v33;
	v20 =	vmul.f32 v19, v60;
	v63 =	vor.u32 $0xC, v33;
	v46 =	vpop (erf)  }
0xa3: {  	v22 =	vmul.f32 v61, v22;
	v58 =	vor.u32 $0x9, v33;
	v35 =	vld.idx.msk [tilespmem:v52+s2+$0x0], $0xffff;
	v48 =	vadd.f32 v46, v45  }
0xa4: {  	v61 =	vor.u32 $0xA, v33;
	v21 =	vmul.f32 v32, v34;
	v34 =	vld.idx.msk [tilespmem:v54+s2+$0x0], $0xffff;
	v50 =	vpop (erf);
	v27 =	vmul.f32 $1.442695020e+00, v51  }
0xa5: {  	v24 =	vmul.f32 $1.442695020e+00, v24;
	v30 =	vld.idx.msk [tilespmem:v47+s2+$0x0], $0xffff;
	v56 =	vmul.f32 $1.442695020e+00, v13;
	v53 =	vadd.f32 v50, v48  }
0xa6: {  	v62 =	vor.u32 $0xB, v33;
	v55 =	vpop (erf);
	v60 =	vmul.f32 $1.442695020e+00, v16;
	v31 =	vmul.f32 $1.442695020e+00, v31  }
0xa7: {  	v49 =	vld.idx.msk [tilespmem:v63+s2+$0x0], $0xffff;
	v19 =	vmul.f32 v45, v18;
	(erf) = vpow2.f32 v56;
	v18 =	vadd.f32 v55, v53  }
0xa8: {  	v41 =	vor.u32 $0xD, v33;
	v59 =	vpop (erf);
	v43 =	vld.idx.msk [tilespmem:v58+s2+$0x0], $0xffff;
	(erf) = vpow2.f32 v60;
	v46 =	vmul.f32 $1.442695020e+00, v35  }
0xa9: {  	v45 =	vld.idx.msk [tilespmem:v61+s2+$0x0], $0xffff;
	v48 =	vmul.f32 $1.442695020e+00, v34;
	(erf) = vpow2.f32 v27;
	v18 =	vadd.f32 v59, v18  }
0xaa: {  	s31 =	sadd.s32 $0xFFFFFFF0, s12;
	v40 =	vld.idx.msk [tilespmem:v57+s2+$0x0], $0xffff;
	v42 =	vmul.f32 $1.442695020e+00, v30;
	v17 =	vmul.f32 v53, v44;
	v44 =	vor.u32 $0xE, v33  }
0xab: {  	v47 =	vld.idx.msk [tilespmem:v62+s2+$0x0], $0xffff;
	v33 =	vor.u32 $0xF, v33;
	v25 =	vmul.f32 v18, v22;
	v18 =	vor.u32 s31, v0  }
0xac: {  	v34 =	vmul.f32 $1.442695020e+00, v49;
	(erf) = vpow2.f32 v24;
	v37 =	vshll.u32 v18, $0x7  }
0xad: {  	v27 =	vld.idx.msk [tilespmem:v41+s2+$0x0], $0xffff;
	v30 =	vmul.f32 $1.442695020e+00, v43;
	(erf) = vpow2.f32 v42;
	v50 =	vor.u32 $0x1, v37  }
0xae: {  	v55 =	vmul.f32 $1.442695020e+00, v45;
	(erf) = vpow2.f32 v31;
	v51 =	vor.u32 $0x2, v37  }
0xaf: {  	(erf) = vpow2.f32 v46;
	v22 =	vmul.f32 $1.442695020e+00, v40;
	v53 =	vld.idx.msk [tilespmem:v44+s2+$0x0], $0xffff;
	v54 =	vor.u32 $0x3, v37  }
0xb0: {  	v56 =	vmul.f32 $1.442695020e+00, v47;
	(erf) = vpow2.f32 v48;
	v33 =	vld.idx.msk [tilespmem:v33+s2+$0x0], $0xffff;
	v52 =	vpop (erf);
	v57 =	vor.u32 $0x4, v37  }
0xb1: {  	(erf) = vpow2.f32 v22;
	v58 =	vor.u32 $0x5, v37;
	v40 =	vadd.f32 $0.0e+00, v52;
	v22 =	vld.idx.msk [tilespmem:v37+s2+$0x0], $0xffff  }
0xb2: {  	v27 =	vmul.f32 $1.442695020e+00, v27;
	v62 =	vor.u32 $0x6, v37;
	(erf) = vpow2.f32 v30;
	v59 =	vpop (erf);
	v24 =	vld.idx.msk [tilespmem:v50+s2+$0x0], $0xffff  }
0xb3: {  	v63 =	vor.u32 $0x7, v37;
	(erf) = vpow2.f32 v55;
	v38 =	vadd.f32 v59, v40;
	v61 =	vld.idx.msk [tilespmem:v51+s2+$0x0], $0xffff  }
0xb4: {  	v47 =	vor.u32 $0xA, v37;
	v41 =	vpop (erf);
	v55 =	vor.u32 $0x9, v37;
	(erf) = vpow2.f32 v56;
	v32 =	vld.idx.msk [tilespmem:v54+s2+$0x0], $0xffff  }
0xb5: {  	(erf) = vpow2.f32 v34;
	v31 =	vmul.f32 $1.442695020e+00, v53;
	v35 =	vld.idx.msk [tilespmem:v57+s2+$0x0], $0xffff;
	v41 =	vadd.f32 v41, v38  }
0xb6: {  	v42 =	vpop (erf);
	v52 =	vmul.f32 $1.442695020e+00, v33;
	v53 =	vor.u32 $0x8, v37;
	(erf) = vpow2.f32 v27;
	v46 =	vld.idx.msk [tilespmem:v58+s2+$0x0], $0xffff  }
0xb7: {  	v43 =	vpop (erf);
	v29 =	vmul.f32 v38, v29;
	(erf) = vpow2.f32 v31;
	v31 =	vld.idx.msk [tilespmem:v62+s2+$0x0], $0xffff;
	v34 =	vadd.f32 v42, v41  }
0xb8: {  	v56 =	vor.u32 $0xC, v37;
	v45 =	vpop (erf);
	(erf) = vpow2.f32 v52;
	v54 =	vmul.f32 $1.442695020e+00, v22  }
0xb9: {  	v58 =	vor.u32 $0xD, v37;
	v44 =	vld.idx.msk [tilespmem:v55+s2+$0x0], $0xffff;
	v26 =	vmul.f32 v34, v26;
	v60 =	vmul.f32 $1.442695020e+00, v24  }
0xba: {  	v11 =	vld.idx.msk [tilespmem:v11+s7+$0x0], $0xffff;
	v43 =	vadd.f32 v43, v34;
	v30 =	vmul.f32 $1.442695020e+00, v61;
	v62 =	vmul.f32 $1.442695020e+00, v32  }
0xbb: {  	v63 =	vld.idx.msk [tilespmem:v63+s2+$0x0], $0xffff;
	v48 =	vpop (erf);
	v61 =	vor.u32 $0xB, v37;
	v59 =	vmul.f32 $1.442695020e+00, v35;
	v46 =	vmul.f32 $1.442695020e+00, v46  }
0xbc: {  	v27 =	vor.u32 s12, v0;
	v49 =	vpop (erf);
	v57 =	vld.idx.msk [tilespmem:v53+s2+$0x0], $0xffff;
	(erf) = vpow2.f32 v54;
	v31 =	vmul.f32 $1.442695020e+00, v31  }
0xbd: {  	v47 =	vld.idx.msk [tilespmem:v47+s2+$0x0], $0xffff;
	v40 =	vpop (erf);
	v43 =	vadd.f32 v45, v43;
	(erf) = vpow2.f32 v60;
	v60 =	vor.u32 $0xE, v37  }
0xbe: {  	v53 =	vshll.u32 v27, $0x7;
	v51 =	vpop (erf);
	v50 =	vld.idx.msk [tilespmem:v58+s2+$0x0], $0xffff;
	v58 =	vmul.f32 $1.442695020e+00, v44;
	(erf) = vpow2.f32 v30  }
0xbf: {  	v36 =	vpop (erf);
	v37 =	vor.u32 $0xF, v37;
	v23 =	vmul.f32 v43, v23;
	(erf) = vpow2.f32 v62;
	v62 =	vld.idx.msk [tilespmem:v56+s2+$0x0], $0xffff  }
0xc0: {  	v52 =	vor.u32 $0xA, v53;
	v35 =	vpop (erf);
	(erf) = vpow2.f32 v59;
	v39 =	vld.idx.msk [tilespmem:v61+s2+$0x0], $0xffff;
	v61 =	vmul.f32 $1.442695020e+00, v63  }
0xc1: {  	v33 =	vpop (erf);
	v56 =	vor.u32 $0x1, v53;
	v63 =	vmul.f32 $1.442695020e+00, v57;
	(erf) = vpow2.f32 v46  }
0xc2: {  	v32 =	vpop (erf);
	(erf) = vpow2.f32 v31;
	v59 =	vld.idx.msk [tilespmem:v60+s2+$0x0], $0xffff;
	v60 =	vsel vm8, v9, v10;
	v10 =	vmul.f32 $1.442695020e+00, v47  }
0xc3: {  	v15 =	vld.idx.msk [tilespmem:v15+s7+$0x0], $0xffff;
	v31 =	vpop (erf);
	v47 =	vor.u32 $0x4, v53;
	vm8 =	veq.s32 v11, $0x0;
	(erf) = vpow2.f32 v61  }
0xc4: {  	v37 =	vld.idx.msk [tilespmem:v37+s2+$0x0], $0xffff;
	v30 =	vpop (erf);
	v28 =	vadd.f32 v60, v28;
	(erf) = vpow2.f32 v63;
	v61 =	vmul.f32 $1.442695020e+00, v62  }
0xc5: {  	v9 =	vld.idx.msk [tilespmem:v53+s2+$0x0], $0xffff;
	v62 =	vor.u32 $0x2, v53;
	v46 =	vpop (erf);
	(erf) = vpow2.f32 v58;
	v39 =	vmul.f32 $1.442695020e+00, v39  }
0xc6: {  	v63 =	vmul.f32 $1.442695020e+00, v50;
	v50 =	vor.u32 $0x3, v53;
	v41 =	vpop (erf);
	(erf) = vpow2.f32 v10  }
0xc7: {  	v12 =	vsel vm8, v12, v14;
	v58 =	vor.u32 $0x7, v53;
	v10 =	vld.idx.msk [tilespmem:v56+s2+$0x0], $0xffff;
	v54 =	vpop (erf);
	(erf) = vpow2.f32 v39  }
0xc8: {  	v11 =	vadd.f32 $0.0e+00, v46;
	v42 =	vmul.f32 $1.442695020e+00, v59;
	v55 =	vpop (erf);
	(erf) = vpow2.f32 v61  }
0xc9: {  	v18 =	vld.idx.msk [tilespmem:v18+s7+$0x0], $0xffff;
	v37 =	vmul.f32 $1.442695020e+00, v37;
	v39 =	vor.u32 $0x5, v53;
	v56 =	vpop (erf);
	(erf) = vpow2.f32 v63  }
0xca: {  	vm8 =	veq.s32 v15, $0x0;
	v60 =	vmul.f32 $1.442695020e+00, v9;
	v61 =	vld.idx.msk [tilespmem:v62+s2+$0x0], $0xffff;
	v44 =	vpop (erf);
	(erf) = vpow2.f32 v42  }
0xcb: {  	v11 =	vadd.f32 v41, v11;
	v62 =	vor.u32 $0x6, v53;
	v50 =	vld.idx.msk [tilespmem:v50+s2+$0x0], $0xffff;
	v45 =	vpop (erf);
	(erf) = vpow2.f32 v37  }
0xcc: {  	v13 =	vsel vm8, v13, v16;
	v58 =	vld.idx.msk [tilespmem:v58+s2+$0x0], $0xffff;
	v63 =	vmul.f32 $1.442695020e+00, v10;
	v57 =	vpop (erf);
	(erf) = vpow2.f32 v60  }
0xcd: {  	v47 =	vld.idx.msk [tilespmem:v47+s2+$0x0], $0xffff;
	v59 =	vor.u32 $0x8, v53;
	v54 =	vadd.f32 v54, v11;
	v60 =	vadd.f32 v48, v43;
	v46 =	vpop (erf)  }
0xce: {  	vm8 =	veq.s32 v18, $0x0;
	v41 =	vor.u32 $0x9, v53;
	v39 =	vld.idx.msk [tilespmem:v39+s2+$0x0], $0xffff;
	v48 =	vpop (erf);
	(erf) = vpow2.f32 v63  }
0xcf: {  	v11 =	vmul.f32 v11, v29;
	v29 =	vadd.f32 v55, v54;
	v14 =	vadd.f32 v49, v60;
	v38 =	vpop (erf)  }
0xd0: {  	v37 =	vmul.f32 $1.442695020e+00, v61;
	v49 =	vld.idx.msk [tilespmem:v62+s2+$0x0], $0xffff;
	v50 =	vmul.f32 $1.442695020e+00, v50;
	v61 =	vor.u32 $0xB, v53;
	v42 =	vpop (erf)  }
0xd1: {  	v55 =	vmul.f32 $1.442695020e+00, v58;
	v40 =	vadd.f32 v40, v14;
	v14 =	vmul.f32 v14, v20;
	v60 =	vpop (erf)  }
0xd2: {  	(erf) = vpow2.f32 v37;
	v37 =	vmul.f32 $1.442695020e+00, v47;
	v47 =	vld.idx.msk [tilespmem:v59+s2+$0x0], $0xffff;
	v59 =	vor.u32 $0xC, v53;
	v62 =	vpop (erf)  }
0xd3: {  	v39 =	vmul.f32 $1.442695020e+00, v39;
	(erf) = vpow2.f32 v50;
	v50 =	vor.u32 $0xD, v53;
	v63 =	vpop (erf)  }
0xd4: {  	v40 =	vadd.f32 v51, v40;
	v51 =	vmul.f32 v29, v26;
	(erf) = vpow2.f32 v37;
	v37 =	vld.idx.msk [tilespmem:v41+s2+$0x0], $0xffff;
	v54 =	vpop (erf)  }
0xd5: {  	v28 =	vadd.f32 v12, v28;
	(erf) = vpow2.f32 v39;
	v39 =	vmul.f32 $1.442695020e+00, v49;
	v49 =	vld.idx.msk [tilespmem:v52+s2+$0x0], $0xffff;
	v41 =	vpop (erf)  }
0xd6: {  	v58 =	vld.idx.msk [tilespmem:v61+s2+$0x0], $0xffff;
	v52 =	vor.u32 $0xE, v53;
	v53 =	vor.u32 $0xF, v53;
	v41 =	vadd.f32 $0.0e+00, v41  }
0xd7: {  	v36 =	vadd.f32 v36, v40;
	(erf) = vpow2.f32 v39;
	v47 =	vmul.f32 $1.442695020e+00, v47;
	v59 =	vld.idx.msk [tilespmem:v59+s2+$0x0], $0xffff;
	v61 =	vpop (erf)  }
0xd8: {  	(erf) = vpow2.f32 v55;
	v39 =	vadd.f32 v61, v41;
	v61 =	vadd.f32 v56, v29  }
0xd9: {  	v35 =	vadd.f32 v35, v36;
	v50 =	vld.idx.msk [tilespmem:v50+s2+$0x0], $0xffff;
	(erf) = vpow2.f32 v47;
	v37 =	vmul.f32 $1.442695020e+00, v37  }
0xda: {  	v41 =	vadd.f32 v44, v61;
	v44 =	vmul.f32 v39, v11;
	v11 =	vmul.f32 $1.442695020e+00, v49  }
0xdb: {  	v21 =	vmul.f32 v40, v21;
	v33 =	vadd.f32 v33, v35;
	v55 =	vld.idx.msk [tilespmem:v52+s2+$0x0], $0xffff;
	(erf) = vpow2.f32 v37  }
0xdc: {  	v28 =	vadd.f32 v13, v28;
	v56 =	vpop (erf);
	(erf) = vpow2.f32 v11;
	v11 =	vmul.f32 $1.442695020e+00, v59  }
0xdd: {  	v58 =	vmul.f32 $1.442695020e+00, v58;
	v61 =	vld.idx.msk [tilespmem:v53+s2+$0x0], $0xffff;
	v32 =	vadd.f32 v32, v33;
	v37 =	vadd.f32 v56, v39  }
0xde: {  	v19 =	vmul.f32 v35, v19;
	v49 =	vpop (erf);
	v50 =	vmul.f32 $1.442695020e+00, v50;
	v52 =	vadd.f32 v45, v41  }
0xdf: {  	v17 =	vmul.f32 v32, v17;
	(erf) = vpow2.f32 v58;
	v36 =	vadd.f32 v49, v37  }
0xe0: {  	v31 =	vadd.f32 v31, v32;
	(erf) = vpow2.f32 v11;
	v53 =	vmul.f32 $1.442695020e+00, v55;
	v11 =	vpop (erf)  }
0xe1: {  	v55 =	vand.u32 $0x7FFFFF, v44;
	v37 =	vadd.f32 v57, v52;
	v11 =	vadd.f32 v11, v36  }
0xe2: {  	v56 =	vmul.f32 $1.442695020e+00, v61;
	v45 =	vor.u32 $0x3F800000, v55;
	(erf) = vpow2.f32 v50;
	v58 =	vpop (erf)  }
0xe3: {  	v59 =	vadd.f32 $1.000000000e+00, v45;
	(erf) = vpow2.f32 v53;
	v11 =	vadd.f32 v58, v11  }
0xe4: {  	v30 =	vadd.f32 v30, v31;
	v46 =	vadd.f32 v46, v37;
	v61 =	vpop (erf);
	(erf) = vpow2.f32 v56  }
0xe5: {  	v20 =	vmul.f32 v36, v51;
	v49 =	vpop (erf);
	(erf) = vrcp.f32 v59;
	v52 =	vadd.f32 v61, v11  }
0xe6: {  	v27 =	vld.idx.msk [tilespmem:v27+s7+$0x0], $0xffff;
	v23 =	vmul.f32 v41, v23;
	v25 =	vmul.f32 v30, v25;
	v33 =	vadd.f32 v48, v46;
	v50 =	vpop (erf)  }
0xe7: {  	v14 =	vmul.f32 v37, v14;
	v59 =	vand.u32 $0x7FFFFF, v20;
	v53 =	vpop (erf);
	v12 =	vadd.f32 v49, v52  }
0xe8: {  	v20 =	vshra.s32 v20, $0x17;
	v57 =	vadd.f32 v38, v33;
	v47 =	vor.u32 $0x3F800000, v59;
	v55 =	vpop (erf)  }
0xe9: {  	v20 =	vadd.s32 $0xFFFFFF81, v20;
	v23 =	vmul.f32 v11, v23;
	v56 =	vpop (erf);
	v58 =	vadd.f32 v50, v12  }
0xea: {  	v11 =	vmul.f32 v33, v21;
	v46 =	vadd.f32 v42, v57;
	v42 =	vsel vm8, v22, v24;
	v38 =	vpop (erf)  }
0xeb: {  	vm8 =	veq.s32 v27, $0x0;
	v49 =	vadd.f32 $1.000000000e+00, v47;
	v61 =	vpop (erf);
	v29 =	vadd.f32 v53, v58  }
0xec: {  	v52 =	vadd.f32 $-1.000000000e+00, v45;
	v9 =	vsel vm8, v9, v10;
	v50 =	vadd.f32 v60, v46;
	v48 =	vpop (erf)  }
0xed: {  	v39 =	vshra.s32 v23, $0x17;
	(erf) = vrcp.f32 v49;
	v51 =	vpop (erf);
	v53 =	vadd.f32 v55, v29  }
0xee: {  	v19 =	vmul.f32 v46, v19;
	v60 =	vand.u32 $0x7FFFFF, v23;
	v30 =	vadd.f32 v62, v50;
	v55 =	vpop (erf)  }
0xef: {  	v33 =	vmul.f32 v12, v14;
	v34 =	vmul.f32 v55, v52;
	v15 =	vadd.f32 v56, v53  }
0xf0: {  	v17 =	vmul.f32 v30, v17;
	v12 =	vmul.f32 v29, v11;
	v11 =	vadd.f32 $-1.000000000e+00, v47  }
0xf1: {  	v47 =	vand.u32 $0x7FFFFF, v33;
	v57 =	vmul.f32 v34, v34;
	v58 =	vadd.f32 v38, v15  }
0xf2: {  	v56 =	vadd.f32 v63, v30;
	v53 =	vand.u32 $0x7FFFFF, v12;
	v12 =	vshra.s32 v12, $0x17  }
0xf3: {  	v59 =	vmul.f32 $1.111111120e-01, v57;
	v21 =	vadd.f32 v61, v58;
	v61 =	vor.u32 $0x3F800000, v60  }
0xf4: {  	v12 =	vadd.s32 $0xFFFFFF81, v12;
	v16 =	vadd.f32 v54, v56;
	v63 =	vadd.f32 $1.000000000e+00, v61  }
0xf5: {  	v14 =	vmul.f32 v15, v19;
	v12 =	vcvt.s32.f32 v12;
	v62 =	vadd.f32 $1.428571490e-01, v59  }
0xf6: {  	v19 =	vadd.f32 v42, v28;
	v38 =	vpop (erf);
	v16 =	vmul.f32 v16, v25;
	(erf) = vrcp.f32 v63  }
0xf7: {  	v52 =	vadd.f32 v34, v34;
	v40 =	vmul.f32 v38, v11;
	v25 =	vmul.f32 v62, v57  }
0xf8: {  	v9 =	vadd.f32 v9, v19;
	v12 =	vmul.f32 $6.931471820e-01, v12;
	v50 =	vadd.f32 $-1.000000000e+00, v61  }
0xf9: {  	v59 =	vand.u32 $0x7FFFFF, v14;
	v37 =	vadd.f32 v48, v21;
	v41 =	vadd.f32 $2.000000030e-01, v25  }
0xfa: {  	v14 =	vshra.s32 v14, $0x17;
	v13 =	vmul.f32 v21, v17;
	v43 =	vmul.f32 v40, v40  }
0xfb: {  	v48 =	vshra.s32 v44, $0x17;
	v11 =	vadd.f32 v51, v37;
	v45 =	vmul.f32 v41, v57  }
0xfc: {  	v21 =	vor.u32 $0x3F800000, v47;
	v15 =	vadd.f32 v40, v40;
	v14 =	vadd.s32 $0xFFFFFF81, v14  }
0xfd: {  	v49 =	vadd.f32 $1.000000000e+00, v21;
	v11 =	vmul.f32 v11, v16;
	v16 =	vadd.f32 $3.333333430e-01, v45  }
0xfe: {  	v22 =	vadd.s32 $0xFFFFFF81, v48;
	v14 =	vcvt.s32.f32 v14;
	v46 =	vmul.f32 $1.111111120e-01, v43  }
0xff: {  	v21 =	vadd.f32 $-1.000000000e+00, v21;
	v16 =	vmul.f32 v16, v57;
	v51 =	vpop (erf);
	(erf) = vrcp.f32 v49  }
0x100: {  	v22 =	vcvt.s32.f32 v22;
	v25 =	vor.u32 $0x3F800000, v53;
	v18 =	vadd.f32 $1.428571490e-01, v46  }
0x101: {  	v60 =	vand.u32 $0x7FFFFF, v13;
	v55 =	vadd.f32 $1.000000000e+00, v25;
	v16 =	vadd.f32 $1.000000000e+00, v16  }
0x102: {  	v13 =	vshra.s32 v13, $0x17;
	v22 =	vmul.f32 $6.931471820e-01, v22;
	v10 =	vmul.f32 v18, v43  }
0x103: {  	v26 =	vor.u32 $0x3F800000, v60;
	(erf) = vrcp.f32 v55;
	v16 =	vmul.f32 v16, v52  }
0x104: {  	v14 =	vmul.f32 $6.931471820e-01, v14;
	v10 =	vadd.f32 $2.000000030e-01, v10;
	v18 =	vmul.f32 v51, v50  }
0x105: {  	v13 =	vadd.s32 $0xFFFFFF81, v13;
	v16 =	vadd.f32 v16, v22;
	v22 =	vor.u32 $0x3F800000, v59  }
0x106: {  	v10 =	vmul.f32 v10, v43;
	v54 =	vmul.f32 v18, v18;
	v62 =	vadd.f32 $1.000000000e+00, v22  }
0x107: {  	v31 =	vadd.f32 $1.000000000e+00, v26;
	v13 =	vcvt.s32.f32 v13;
	v32 =	vand.u32 $0x7FFFFF, v11  }
0x108: {  	v10 =	vadd.f32 $3.333333430e-01, v10;
	v56 =	vmul.f32 $1.111111120e-01, v54;
	(erf) = vrcp.f32 v62;
	v61 =	vpop (erf)  }
0x109: {  	v57 =	vcvt.s32.f32 v20;
	v63 =	vmul.f32 v61, v21;
	v21 =	vor.u32 $0x3F800000, v32  }
0x10a: {  	v10 =	vmul.f32 v10, v43;
	v58 =	vadd.f32 $1.428571490e-01, v56;
	v37 =	vadd.f32 $1.000000000e+00, v21  }
0x10b: {  	v25 =	vadd.f32 $-1.000000000e+00, v25;
	(erf) = vrcp.f32 v31;
	v27 =	vmul.f32 v63, v63  }
0x10c: {  	v26 =	vadd.f32 $-1.000000000e+00, v26;
	v20 =	vmul.f32 v58, v54;
	v36 =	vpop (erf);
	(erf) = vrcp.f32 v37  }
0x10d: {  	v11 =	vshra.s32 v11, $0x17;
	v10 =	vadd.f32 $1.000000000e+00, v10;
	v34 =	vmul.f32 $1.111111120e-01, v27  }
0x10e: {  	v11 =	vadd.s32 $0xFFFFFF81, v11;
	v49 =	vshra.s32 v33, $0x17;
	v20 =	vadd.f32 $2.000000030e-01, v20  }
0x10f: {  	v19 =	vmul.f32 $6.931471820e-01, v57;
	v10 =	vmul.f32 v10, v15;
	v38 =	vadd.f32 $1.428571490e-01, v34  }
0x110: {  	v22 =	vadd.f32 $-1.000000000e+00, v22;
	v8 =	vadd.f32 v16, v8;
	v20 =	vmul.f32 v20, v54  }
0x111: {  	v10 =	vadd.f32 v10, v19;
	v19 =	vadd.s32 $0xFFFFFF81, v39;
	v41 =	vpop (erf);
	v16 =	vmul.f32 v38, v27  }
0x112: {  	v35 =	vadd.f32 $3.333333430e-01, v20;
	v20 =	vmul.f32 v36, v25;
	v22 =	vmul.f32 v41, v22  }
0x113: {  	v18 =	vadd.f32 v18, v18;
	v19 =	vcvt.s32.f32 v19;
	v16 =	vadd.f32 $2.000000030e-01, v16  }
0x114: {  	v21 =	vadd.f32 $-1.000000000e+00, v21;
	v40 =	vmul.f32 v20, v20;
	v43 =	vpop (erf);
	v46 =	vmul.f32 v22, v22  }
0x115: {  	v7 =	vadd.f32 v10, v7;
	v45 =	vmul.f32 v43, v26;
	v16 =	vmul.f32 v16, v27;
	v29 =	vpop (erf)  }
0x116: {  	v17 =	vadd.f32 v63, v63;
	v50 =	vmul.f32 $1.111111120e-01, v46;
	v21 =	vmul.f32 v29, v21  }
0x117: {  	v19 =	vmul.f32 $6.931471820e-01, v19;
	v48 =	vmul.f32 v45, v45;
	v16 =	vadd.f32 $3.333333430e-01, v16  }
0x118: {  	v42 =	vmul.f32 $1.111111120e-01, v40;
	v28 =	vadd.f32 $1.428571490e-01, v50;
	v29 =	vmul.f32 v21, v21  }
0x119: {  	v20 =	vadd.f32 v20, v20;
	v51 =	vmul.f32 $1.111111120e-01, v48;
	v16 =	vmul.f32 v16, v27  }
0x11a: {  	v44 =	vadd.f32 $1.428571490e-01, v42;
	v28 =	vmul.f32 v28, v46;
	v53 =	vmul.f32 $1.111111120e-01, v29  }
0x11b: {  	v15 =	vmul.f32 v35, v54;
	v27 =	vadd.f32 $1.428571490e-01, v51;
	v16 =	vadd.f32 $1.000000000e+00, v16  }
0x11c: {  	v47 =	vmul.f32 v44, v40;
	v52 =	vadd.f32 $2.000000030e-01, v28;
	v55 =	vadd.f32 $1.428571490e-01, v53  }
0x11d: {  	v15 =	vadd.f32 $1.000000000e+00, v15;
	v27 =	vmul.f32 v27, v48;
	v16 =	vmul.f32 v16, v17  }
0x11e: {  	v26 =	vadd.s32 $0xFFFFFF81, v49;
	v17 =	vmul.f32 v52, v46;
	v56 =	vmul.f32 v55, v29  }
0x11f: {  	v10 =	vmul.f32 v15, v18;
	v18 =	vadd.f32 $2.000000030e-01, v47;
	v54 =	vadd.f32 $2.000000030e-01, v27  }
0x120: {  	v26 =	vcvt.s32.f32 v26;
	v17 =	vadd.f32 $3.333333430e-01, v17;
	v58 =	vadd.f32 $2.000000030e-01, v56  }
0x121: {  	v60 =	vadd.f32 v22, v22;
	v18 =	vmul.f32 v18, v40;
	v23 =	vmul.f32 v54, v48  }
0x122: {  	v61 =	vadd.f32 v45, v45;
	v15 =	vmul.f32 v17, v46;
	v17 =	vmul.f32 v58, v29  }
0x123: {  	v11 =	vcvt.s32.f32 v11;
	v10 =	vadd.f32 v10, v19;
	v18 =	vadd.f32 $3.333333430e-01, v18  }
0x124: {  	v26 =	vmul.f32 $6.931471820e-01, v26;
	v57 =	vadd.f32 $3.333333430e-01, v23;
	v17 =	vadd.f32 $3.333333430e-01, v17  }
0x125: {  	v21 =	vadd.f32 v21, v21;
	v6 =	vadd.f32 v10, v6;
	v18 =	vmul.f32 v18, v40  }
0x126: {  	v16 =	vadd.f32 v16, v26;
	v59 =	vmul.f32 v57, v48;
	v17 =	vmul.f32 v17, v29  }
0x127: {  	v11 =	vmul.f32 $6.931471820e-01, v11;
	v18 =	vadd.f32 $1.000000000e+00, v18;
	v15 =	vadd.f32 $1.000000000e+00, v15  }
0x128: {  	v10 =	vmul.f32 $6.931471820e-01, v13;
	v19 =	vadd.f32 $1.000000000e+00, v59;
	v17 =	vadd.f32 $1.000000000e+00, v17  }
0x129: {  	p0 =	sne.s32 s12, $0x1F0;
	v18 =	vmul.f32 v18, v20;
	v15 =	vmul.f32 v15, v60  }
.Ltmp0:
0x12a: {  	v5 =	vadd.f32 v16, v5;
	v62 =	vmul.f32 v19, v61;
	v63 =	vmul.f32 v17, v21;
	(pc) =	sbr.rel @p0 .LBB2_2-.Ltmp0, $4  }
0x12b: {  	v12 =	vadd.f32 v18, v12;
	v14 =	vadd.f32 v15, v14  }
0x12c: {  	v10 =	vadd.f32 v62, v10;
	v11 =	vadd.f32 v63, v11  }
0x12d: {  	v4 =	vadd.f32 v12, v4;
	v3 =	vadd.f32 v14, v3  }
0x12e: {  	s12 =	sadd.s32 $0x80, s12;
	v2 =	vadd.f32 v10, v2;
	v1 =	vadd.f32 v11, v1  }
0x12f: {  	(xrf2) =	vadd.scan.msk.f32 $0xffff, v8;
	_ =	sdelay $0x2  }
0x130: {  	(xrf2) =	vadd.scan.msk.f32 $0xffff, v7;
	_ =	sdelay $0x2  }
0x131: {  	(xrf2) =	vadd.scan.msk.f32 $0xffff, v6;
	_ =	sdelay $0x1  }
0x132: {  	(xrf2) =	vadd.scan.msk.f32 $0xffff, v5  }
0x133: {  	(xrf2) =	vadd.scan.msk.f32 $0xffff, v4  }
0x134: {  	v57, _, _ =	vpop (xrf2)  }
0x135: {  	(xrf2) =	vadd.scan.msk.f32 $0xffff, v3;
	v3 =	vbroadcast v57, $0xF  }
0x136: {  	vm8 =	vmmov $0x1  }
0x137: {  	v58, _, _ =	vpop (xrf2);
	(xrf2) =	vadd.scan.msk.f32 $0xffff, v2;
	v2 =	vnsel vm8, $0x0, v3  }
0x138: {  	v2 =	vadd.f32 $0.0e+00, v2  }
0x139: {  	v3 =	vbroadcast v58, $0xF  }
0x13a: {  	v59, _, _ =	vpop (xrf2)  }
0x13b: {  	(xrf2) =	vadd.scan.msk.f32 $0xffff, v1;
	v1 =	vnsel vm0, $0x0, v3;
	v3 =	vbroadcast v59, $0xF  }
0x13c: {  	v1 =	vadd.f32 v1, v2;
	v2, _, _ =	vpop (xrf2)  }
0x13d: {  	v3 =	vnsel vm1, $0x0, v3;
	(xrf2) =	vadd.scan.msk.f32 $0xffff, v9;
	v2 =	vbroadcast v2, $0xF;
	v60, _, _ =	vpop (xrf2)  }
0x13e: {  	v1 =	vadd.f32 v3, v1;
	v3 =	vbroadcast v60, $0xF  }
0x13f: {  	v61, _, _ =	vpop (xrf2);
	v2 =	vnsel vm2, $0x0, v2  }
0x140: {  	v1 =	vadd.f32 v2, v1;
	v2 =	vnsel vm3, $0x0, v3;
	v3 =	vbroadcast v61, $0xF  }
0x141: {  	v62, _, _ =	vpop (xrf2)  }
0x142: {  	v1 =	vadd.f32 v2, v1;
	v2 =	vnsel vm4, $0x0, v3;
	v3 =	vbroadcast v62, $0xF;
	_ =	sdelay $0x1  }
0x143: {  	v1 =	vadd.f32 v2, v1;
	v2 =	vnsel vm5, $0x0, v3  }
0x144: {  	v63, _, _ =	vpop (xrf2)  }
0x145: {  	v3 =	vbroadcast v63, $0xF  }
0x146: {  	v1 =	vadd.f32 v2, v1;
	v2, _, _ =	vpop (xrf2)  }
0x147: {  	v3 =	vnsel vm6, $0x0, v3;
	v2 =	vbroadcast v2, $0xF  }
0x148: {  	v1 =	vadd.f32 v3, v1  }
0x149: {  	v2 =	vnsel vm7, $0x0, v2  }
0x14a: {  	s11 =	sadd.s32 $0x1, s11;
	v1 =	vadd.f32 v2, v1  }
0x14b: {  	p0 =	sne.s32 s11, s6  }
.Ltmp1:
0x14c: {  	[tilespmem:$0x10200] =	vst v1;
	(pc) =	sbr.rel @p0 .LBB2_1-.Ltmp1, $4  }
0x14d: {  	[hbm4b:s5+s2] =	stream.linear.scatter [tilespmem:s10], [sflag:$0x2], $0x80, $0x38;
	[tilespmem:$0x10280] =	vst v63  }
0x14e: {  	_ =	swait.ge [sflag:s8], $0x80  }
0x14f: {  	[sflag:s8] =	ssyncset.done $0x0  }
0x150: {  	[sflag:s8] =	ssyncadd.s32 $0xFFFFFF80  }
0x151: {  	_ =	sfence.sel $0x180000  }
0x152: {  	[bflag:$0x0] =	sbarrier.arrive $0xFFFF  }
0x153: {  	p0 =	sne.s32 s1, $0x0;
	_ =	strace $0x90000047  }
0x154: {  	s0 =	sadd.s32 @!p0 $0x100000, s0;
	[bflag:$0x2] =	sbarrier.arrive $0xFFFF  }
0x155: {  	[sflag:s0] =	ssyncadd.tile.s32 @!p0 $0x1;
	_ =	shalt  }
.Lfunc_end2:
_tile_overlayer_lowered:
.L_overlay_start_2:
0x156: {  	(tag) =	ssettag $0x2  }
0x157: {  	s0 =	rddreg [dreg:$0x0];
	s2 =	stileid.u32  }
0x158: {  	s1 =	rddreg [dreg:$0x1];
	p0 =	sne.s32 s2, $0x0  }
0x159: {  	s3 =	rddreg [dreg:$0x2];
	[bflag:$0x3] =	sbarrier.arrive $0xFFFF;
	s2 =	simm.s32 @!p0 $0x1C02  }
0x15a: {  	[timem:s3], [sflag:s2] =	dma.local @!p0 [hbm:s0], s1  }
0x15b: {  	s0 =	simm.s32 @!p0 $0x2  }
0x15c: {  	_ =	swait.ge @!p0 [sflag:s0], s1  }
0x15d: {  	s1 =	ssub.s32 @!p0 $0x0, s1;
	[sflag:s0] =	ssyncset.done @!p0 $0x0  }
0x15e: {  	[sflag:s0] =	ssyncadd.s32 @!p0 s1  }
0x15f: {  	[bflag:$0x3] =	sbarrier.arrive $0xFFFF  }
0x160: {  	_ =	shalt  }

</sc_bundles>
